<compile_context>
chip_gen: v7x
topology: tpu7x:2x2x1
jax: 0.10.2.dev20260603
libtpu: 0.0.44.dev20260713+nightly
codegen_flags: <defaults>
</compile_context>

<pallas_src>
import functools

import jax
import jax.numpy as jnp
from jax import lax
from jax.experimental import pallas as pl
from jax.experimental.pallas import tpu as pltpu
from jax.experimental.pallas import tpu_sc as plsc

_L = 16
_GCH = 128


@functools.lru_cache(maxsize=None)
def _make_kernel(B, T, D, V):
    NC, NS = 2, 16
    NW = NC * NS
    CH = 256
    NQ = B // CH
    DV = D // _L
    NG = CH // _GCH
    NTASK = (T * NQ) // NW
    assert T * NQ == NTASK * NW
    PROWS = 16

    mesh = plsc.VectorSubcoreMesh(core_axis_name="c", subcore_axis_name="s")

    @functools.partial(
        pl.kernel,
        out_type=jax.ShapeDtypeStruct((B * T, D), jnp.float32),
        mesh=mesh,
        scratch_types=[
            pltpu.VMEM((NTASK * CH,), jnp.int32),
            pltpu.VMEM((PROWS, D), jnp.float32),
            pltpu.VMEM((2, CH, D), jnp.float32),
            pltpu.VMEM((2, NG, _GCH), jnp.int32),
            pltpu.SemaphoreType.DMA,
            pltpu.SemaphoreType.DMA,
            pltpu.SemaphoreType.DMA,
            pltpu.SemaphoreType.DMA,
            pltpu.SemaphoreType.DMA,
        ],
    )
    def kern(xt_hbm, tok_hbm, pos_hbm, out_hbm,
             idx_v, pos_v, rows_v, oidx_v, psem, gsem0, gsem1, ssem0, ssem1):
        cid = lax.axis_index("c")
        sid = lax.axis_index("s")
        wid = sid * NC + cid
        gsems = (gsem0, gsem1)
        ssems = (ssem0, ssem1)

        tau0 = wid * NTASK
        tlo = tau0 // NQ
        pstart = jnp.minimum((tlo // 8) * 8, T - PROWS)

        cp_i = pltpu.async_copy(
            xt_hbm.at[pl.ds(tau0 * CH, NTASK * CH)], idx_v, psem)
        cp_p = pltpu.async_copy(
            pos_hbm.at[pl.ds(pstart, PROWS)], pos_v, psem)
        cp_i.wait()
        cp_p.wait()

        def gather_copies(j, b, make_only):
            out = []
            for jj in range(NG):
                src = tok_hbm.at[
                    idx_v.at[pl.ds(j * CH + jj * _GCH, _GCH)]]
                dst = rows_v.at[b, pl.ds(jj * _GCH, _GCH)]
                if make_only:
                    out.append(pltpu.make_async_copy(src, dst, gsems[b]))
                else:
                    out.append(pltpu.async_copy(src, dst, gsems[b]))
            return out

        def scatter_copies(b, make_only):
            out = []
            for jj in range(NG):
                src = rows_v.at[b, pl.ds(jj * _GCH, _GCH)]
                dst = out_hbm.at[oidx_v.at[b, jj]]
                if make_only:
                    out.append(pltpu.make_async_copy(src, dst, ssems[b]))
                else:
                    out.append(pltpu.async_copy(src, dst, ssems[b]))
            return out

        def process(j, b):
            for cp in gather_copies(j, b, True):
                cp.wait()

            tau = tau0 + j
            t = tau // NQ
            base = (tau % NQ) * CH
            t_local = t - pstart

            posv = [pos_v[t_local, pl.ds(k * _L, _L)] for k in range(DV)]

            def row(r, c):
                for k in range(DV):
                    sl = pl.ds(k * _L, _L)
                    rows_v[b, r, sl] = rows_v[b, r, sl] + posv[k]
                return c

            lax.fori_loop(0, CH, row, 0)

            lanes = lax.iota(jnp.int32, _L) * T
            for jj in range(NG):
                for k in range(_GCH // _L):
                    c0 = (base + jj * _GCH + k * _L) * T
                    oidx_v[b, jj, pl.ds(k * _L, _L)] = lanes + (c0 + t)

            scatter_copies(b, False)

        gather_copies(0, 0, False)

        def group(g, c):
            j0 = 2 * g

            @pl.when(g >= 1)
            def _():
                for cp in scatter_copies(1, True):
                    cp.wait()

            gather_copies(j0 + 1, 1, False)
            process(j0, 0)

            for cp in scatter_copies(0, True):
                cp.wait()
            gather_copies(j0 + 2, 0, False)

            process(j0 + 1, 1)
            return c

        lax.fori_loop(0, (NTASK - 1) // 2, group, 0)

        process(NTASK - 1, 0)
        for cp in scatter_copies(1, True):
            cp.wait()
        for cp in scatter_copies(0, True):
            cp.wait()

    return kern


def kernel(x, token_table, pos_table):
    B, T = x.shape
    V, D = token_table.shape
    xt = x.astype(jnp.int32).T.reshape(-1)
    out = _make_kernel(B, T, D, V)(xt, token_table, pos_table)
    return out.reshape(B, T, D)

# --- scband reference (transcript-rebuilt; emitter-appended) ---
"""Pipeline reference for scband-token-and-position-embedding-38156489458135 (READ-ONLY COPY).

The authoritative reference and input builder live on the scoring server;
editing this copy changes nothing except your own understanding.
"""

import jax, jax.numpy as jnp
import numpy as np

VOCAB = 100000
MAXLEN = 200
EMBED_DIM = 128
BATCH = 1024

def setup_inputs(seed: int = 0) -> dict:
    key = jax.random.key(seed)
    k1, k2, k3 = jax.random.split(key, 3)
    x = jax.random.randint(k1, (BATCH, MAXLEN), 0, VOCAB, dtype=jnp.int64 if jax.config.read('jax_enable_x64') else jnp.int32)
    token_table = jax.random.normal(k2, (VOCAB, EMBED_DIM), dtype=jnp.float32) * 0.05
    pos_table = jax.random.normal(k3, (MAXLEN, EMBED_DIM), dtype=jnp.float32) * 0.05
    return {"x": x, "token_table": token_table, "pos_table": pos_table}

def reference(x, token_table, pos_table):
    maxlen = x.shape[-1]
    positions = jnp.arange(0, maxlen)
    pos_emb = jnp.take(pos_table, positions, axis=0)  # [maxlen, embed_dim]
    tok_emb = jnp.take(token_table, x, axis=0)        # [batch, maxlen, embed_dim]
    return tok_emb + pos_emb[None, :, :]

if __name__ == "__main__":
    import jax
    _d = setup_inputs()
    print(jax.jit(kernel)(*tuple(_d.values())))

</pallas_src>

<mosaic_0001>
#map = affine_map<(d0, d1) -> (0)>
#map1 = affine_map<(d0, d1) -> (0, 0)>
module attributes {stable_mosaic.version = 14 : i64} {
  func.func @kern(%arg0: i32, %arg1: i32, %arg2: memref<204800xi32, #tpu.memory_space<hbm>>, %arg3: memref<100000x128xf32, #tpu.memory_space<hbm>>, %arg4: memref<200x128xf32, #tpu.memory_space<hbm>>, %arg5: memref<204800x128xf32, #tpu.memory_space<hbm>>, %arg6: memref<6400xi32, #tpu.memory_space<vmem>>, %arg7: memref<16x128xf32, #tpu.memory_space<vmem>>, %arg8: memref<2x256x128xf32, #tpu.memory_space<vmem>>, %arg9: memref<2x2x128xi32, #tpu.memory_space<vmem>>, %arg10: memref<!tpu.dma_semaphore, #tpu.memory_space<semaphore_mem>>, %arg11: memref<!tpu.dma_semaphore, #tpu.memory_space<semaphore_mem>>, %arg12: memref<!tpu.dma_semaphore, #tpu.memory_space<semaphore_mem>>, %arg13: memref<!tpu.dma_semaphore, #tpu.memory_space<semaphore_mem>>, %arg14: memref<!tpu.dma_semaphore, #tpu.memory_space<semaphore_mem>>) attributes {dimension_semantics = [#tpu.dimension_semantics<core_parallel>, #tpu.dimension_semantics<subcore_parallel>], iteration_bounds = array<i64: 2, 16>, scalar_prefetch = 0 : i64, scratch_operands = 9 : i64, tpu.core_type = #tpu.core_type<sc_vector_subcore>, window_params = [{transform_indices = #map}, {transform_indices = #map1}, {transform_indices = #map1}, {transform_indices = #map1}]} {
    %mul3A = arith.constant 2 : i32
    %mul3A_0 = arith.muli %arg1, %mul3A : i32
    %add3A = arith.addi %mul3A_0, %arg0 : i32
    %mul3A_1 = arith.constant 25 : i32
    %mul3A_2 = arith.muli %add3A, %mul3A_1 : i32
    %jit3A = arith.constant 4 : i32
    %div3A = arith.divsi %mul3A_2, %jit3A : i32
    %sign3A = arith.constant 0 : i32
    %sign3A_3 = arith.cmpi sgt, %mul3A_2, %sign3A : i32
    %sign3A_4 = arith.extui %sign3A_3 : i1 to i32
    %sign3A_5 = arith.constant 0 : i32
    %sign3A_6 = arith.cmpi slt, %mul3A_2, %sign3A_5 : i32
    %sign3A_7 = arith.extui %sign3A_6 : i1 to i32
    %sign3A_8 = arith.subi %sign3A_4, %sign3A_7 : i32
    %sign3A_9 = arith.constant 0 : i32
    %sign3A_10 = arith.cmpi sgt, %jit3A, %sign3A_9 : i32
    %sign3A_11 = arith.extui %sign3A_10 : i1 to i32
    %sign3A_12 = arith.constant 0 : i32
    %sign3A_13 = arith.cmpi slt, %jit3A, %sign3A_12 : i32
    %sign3A_14 = arith.extui %sign3A_13 : i1 to i32
    %sign3A_15 = arith.subi %sign3A_11, %sign3A_14 : i32
    %ne3A = arith.cmpi ne, %sign3A_8, %sign3A_15 : i32
    %rem3A = arith.remsi %mul3A_2, %jit3A : i32
    %ne3A_16 = arith.constant 0 : i32
    %ne3A_17 = arith.cmpi ne, %rem3A, %ne3A_16 : i32
    %and3A = arith.andi %ne3A, %ne3A_17 : i1
    %sub3A = arith.constant 1 : i32
    %sub3A_18 = arith.subi %div3A, %sub3A : i32
    %select_n3A = arith.select %and3A, %sub3A_18, %div3A : i32
    %jit3A_19 = arith.constant 8 : i32
    %div3A_20 = arith.divsi %select_n3A, %jit3A_19 : i32
    %sign3A_21 = arith.constant 0 : i32
    %sign3A_22 = arith.cmpi sgt, %select_n3A, %sign3A_21 : i32
    %sign3A_23 = arith.extui %sign3A_22 : i1 to i32
    %sign3A_24 = arith.constant 0 : i32
    %sign3A_25 = arith.cmpi slt, %select_n3A, %sign3A_24 : i32
    %sign3A_26 = arith.extui %sign3A_25 : i1 to i32
    %sign3A_27 = arith.subi %sign3A_23, %sign3A_26 : i32
    %sign3A_28 = arith.constant 0 : i32
    %sign3A_29 = arith.cmpi sgt, %jit3A_19, %sign3A_28 : i32
    %sign3A_30 = arith.extui %sign3A_29 : i1 to i32
    %sign3A_31 = arith.constant 0 : i32
    %sign3A_32 = arith.cmpi slt, %jit3A_19, %sign3A_31 : i32
    %sign3A_33 = arith.extui %sign3A_32 : i1 to i32
    %sign3A_34 = arith.subi %sign3A_30, %sign3A_33 : i32
    %ne3A_35 = arith.cmpi ne, %sign3A_27, %sign3A_34 : i32
    %rem3A_36 = arith.remsi %select_n3A, %jit3A_19 : i32
    %ne3A_37 = arith.constant 0 : i32
    %ne3A_38 = arith.cmpi ne, %rem3A_36, %ne3A_37 : i32
    %and3A_39 = arith.andi %ne3A_35, %ne3A_38 : i1
    %sub3A_40 = arith.constant 1 : i32
    %sub3A_41 = arith.subi %div3A_20, %sub3A_40 : i32
    %select_n3A_42 = arith.select %and3A_39, %sub3A_41, %div3A_20 : i32
    %mul3A_43 = arith.constant 8 : i32
    %mul3A_44 = arith.muli %select_n3A_42, %mul3A_43 : i32
    %min3A = arith.constant 184 : i32
    %min3A_45 = arith.minsi %mul3A_44, %min3A : i32
    %mul3A_46 = arith.constant 256 : i32
    %mul3A_47 = arith.muli %mul3A_2, %mul3A_46 : i32
    %dma_start3A = tpu.memref_slice %arg2[%mul3A_47] : memref<204800xi32, #tpu.memory_space<hbm>> -> memref<6400xi32, #tpu.memory_space<hbm>>
    %dma_start3A_48 = tpu.memref_slice %arg2[%mul3A_47] : memref<204800xi32, #tpu.memory_space<hbm>> -> memref<6400xi32, #tpu.memory_space<hbm>>
    tpu.enqueue_dma source(%dma_start3A_48 : memref<6400xi32, #tpu.memory_space<hbm>>) target(%arg6 : memref<6400xi32, #tpu.memory_space<vmem>>) target_semaphore(%arg10 : memref<!tpu.dma_semaphore, #tpu.memory_space<semaphore_mem>>)
    %dma_start3A_49 = arith.constant 0 : i32
    %dma_start3A_50 = tpu.memref_slice %arg4[%min3A_45, %dma_start3A_49] : memref<200x128xf32, #tpu.memory_space<hbm>> -> memref<16x128xf32, #tpu.memory_space<hbm>>
    %dma_start3A_51 = arith.constant 0 : i32
    %dma_start3A_52 = tpu.memref_slice %arg4[%min3A_45, %dma_start3A_51] : memref<200x128xf32, #tpu.memory_space<hbm>> -> memref<16x128xf32, #tpu.memory_space<hbm>>
    tpu.enqueue_dma source(%dma_start3A_52 : memref<16x128xf32, #tpu.memory_space<hbm>>) target(%arg7 : memref<16x128xf32, #tpu.memory_space<vmem>>) target_semaphore(%arg10 : memref<!tpu.dma_semaphore, #tpu.memory_space<semaphore_mem>>)
    %dma_wait3A = tpu.memref_slice %arg2[%mul3A_47] : memref<204800xi32, #tpu.memory_space<hbm>> -> memref<6400xi32, #tpu.memory_space<hbm>>
    %dma_wait3A_53 = tpu.memref_slice %arg2[%mul3A_47] : memref<204800xi32, #tpu.memory_space<hbm>> -> memref<6400xi32, #tpu.memory_space<hbm>>
    tpu.wait_dma2 semaphore(%arg10 : memref<!tpu.dma_semaphore, #tpu.memory_space<semaphore_mem>>) src(%dma_wait3A_53 : memref<6400xi32, #tpu.memory_space<hbm>>) dst(%arg6 : memref<6400xi32, #tpu.memory_space<vmem>>)
    %dma_wait3A_54 = arith.constant 0 : i32
    %dma_wait3A_55 = tpu.memref_slice %arg4[%min3A_45, %dma_wait3A_54] : memref<200x128xf32, #tpu.memory_space<hbm>> -> memref<16x128xf32, #tpu.memory_space<hbm>>
    %dma_wait3A_56 = arith.constant 0 : i32
    %dma_wait3A_57 = tpu.memref_slice %arg4[%min3A_45, %dma_wait3A_56] : memref<200x128xf32, #tpu.memory_space<hbm>> -> memref<16x128xf32, #tpu.memory_space<hbm>>
    tpu.wait_dma2 semaphore(%arg10 : memref<!tpu.dma_semaphore, #tpu.memory_space<semaphore_mem>>) src(%dma_wait3A_57 : memref<16x128xf32, #tpu.memory_space<hbm>>) dst(%arg7 : memref<16x128xf32, #tpu.memory_space<vmem>>)
    %dma_start3A_58 = arith.constant 0 : i32
    %dma_start3A_59 = arith.constant 0 : i32
    %dma_start3A_60 = arith.constant 0 : i32
    %dma_start3A_61 = tpu.memref_slice %arg8[%dma_start3A_58, %dma_start3A_59, %dma_start3A_60] : memref<2x256x128xf32, #tpu.memory_space<vmem>> -> memref<1x128x128xf32, #tpu.memory_space<vmem>>
    %dma_start3A_62 = tpu.memref_squeeze %dma_start3A_61 : memref<1x128x128xf32, #tpu.memory_space<vmem>> -> memref<128x128xf32, #tpu.memory_space<vmem>>
    %dma_start3A_63 = arith.constant 0 : i32
    %dma_start3A_64 = tpu.memref_slice %arg6[%dma_start3A_63] : memref<6400xi32, #tpu.memory_space<vmem>> -> memref<128xi32, #tpu.memory_space<vmem>>
    %dma_start3A_65 = arith.constant 0 : i32
    %dma_start3A_66 = arith.constant 0 : i32
    %dma_start3A_67 = tpu.memref_slice %arg3[%dma_start3A_65, %dma_start3A_66] : memref<100000x128xf32, #tpu.memory_space<hbm>> -> memref<100000x128xf32, #tpu.memory_space<hbm>>
    tpu.enqueue_indirect_dma source(%dma_start3A_67 : memref<100000x128xf32, #tpu.memory_space<hbm>>) target(%dma_start3A_62 : memref<128x128xf32, #tpu.memory_space<vmem>>) offsets(%dma_start3A_64 : memref<128xi32, #tpu.memory_space<vmem>>) semaphore(%arg11 : memref<!tpu.dma_semaphore, #tpu.memory_space<semaphore_mem>>)
    %dma_start3A_68 = arith.constant 0 : i32
    %dma_start3A_69 = arith.constant 128 : i32
    %dma_start3A_70 = arith.constant 0 : i32
    %dma_start3A_71 = tpu.memref_slice %arg8[%dma_start3A_68, %dma_start3A_69, %dma_start3A_70] : memref<2x256x128xf32, #tpu.memory_space<vmem>> -> memref<1x128x128xf32, #tpu.memory_space<vmem>>
    %dma_start3A_72 = tpu.memref_squeeze %dma_start3A_71 : memref<1x128x128xf32, #tpu.memory_space<vmem>> -> memref<128x128xf32, #tpu.memory_space<vmem>>
    %dma_start3A_73 = arith.constant 128 : i32
    %dma_start3A_74 = tpu.memref_slice %arg6[%dma_start3A_73] : memref<6400xi32, #tpu.memory_space<vmem>> -> memref<128xi32, #tpu.memory_space<vmem>>
    %dma_start3A_75 = arith.constant 0 : i32
    %dma_start3A_76 = arith.constant 0 : i32
    %dma_start3A_77 = tpu.memref_slice %arg3[%dma_start3A_75, %dma_start3A_76] : memref<100000x128xf32, #tpu.memory_space<hbm>> -> memref<100000x128xf32, #tpu.memory_space<hbm>>
    tpu.enqueue_indirect_dma source(%dma_start3A_77 : memref<100000x128xf32, #tpu.memory_space<hbm>>) target(%dma_start3A_72 : memref<128x128xf32, #tpu.memory_space<vmem>>) offsets(%dma_start3A_74 : memref<128xi32, #tpu.memory_space<vmem>>) semaphore(%arg11 : memref<!tpu.dma_semaphore, #tpu.memory_space<semaphore_mem>>)
    %scan3A = arith.constant 0 : i32
    %scan3A_78 = arith.constant 0 : i32
    %scan3A_79 = arith.constant 12 : i32
    %scan3A_80 = arith.addi %scan3A_78, %scan3A_79 : i32
    %scan3A_81 = arith.constant 1 : i32
    scf.for %scan3A_535 = %scan3A_78 to %scan3A_80 step %scan3A_81  : i32 {
      %mul3A_536 = arith.constant 2 : i32
      %mul3A_537 = arith.muli %mul3A_536, %scan3A_535 : i32
      %ge3A = arith.constant 1 : i32
      %ge3A_538 = arith.cmpi sge, %scan3A_535, %ge3A : i32
      %convert_element_type3A = arith.extui %ge3A_538 : i1 to i32
      %cond3A = arith.constant 0 : i32
      %cond3A_539 = arith.cmpi ne, %convert_element_type3A, %cond3A : i32
      scf.if %cond3A_539 {
        %dma_wait3A_1444 = arith.constant 1 : i32
        %dma_wait3A_1445 = arith.constant 1 : i32
        %dma_wait3A_1446 = arith.constant 0 : i32
        %dma_wait3A_1447 = arith.constant 0 : i32
        %dma_wait3A_1448 = arith.constant 0 : i32
        %dma_wait3A_1449 = tpu.memref_slice %arg8[%dma_wait3A_1444, %dma_wait3A_1447, %dma_wait3A_1448] : memref<2x256x128xf32, #tpu.memory_space<vmem>> -> memref<1x128x128xf32, #tpu.memory_space<vmem>>
        %dma_wait3A_1450 = tpu.memref_squeeze %dma_wait3A_1449 : memref<1x128x128xf32, #tpu.memory_space<vmem>> -> memref<128x128xf32, #tpu.memory_space<vmem>>
        %dma_wait3A_1451 = arith.constant 0 : i32
        %dma_wait3A_1452 = tpu.memref_slice %arg9[%dma_wait3A_1445, %dma_wait3A_1446, %dma_wait3A_1451] : memref<2x2x128xi32, #tpu.memory_space<vmem>> -> memref<1x1x128xi32, #tpu.memory_space<vmem>>
        %dma_wait3A_1453 = tpu.memref_squeeze %dma_wait3A_1452 : memref<1x1x128xi32, #tpu.memory_space<vmem>> -> memref<128xi32, #tpu.memory_space<vmem>>
        %dma_wait3A_1454 = arith.constant 0 : i32
        %dma_wait3A_1455 = arith.constant 0 : i32
        %dma_wait3A_1456 = tpu.memref_slice %arg5[%dma_wait3A_1454, %dma_wait3A_1455] : memref<204800x128xf32, #tpu.memory_space<hbm>> -> memref<204800x128xf32, #tpu.memory_space<hbm>>
        tpu.wait_indirect_dma semaphore(%arg14 : memref<!tpu.dma_semaphore, #tpu.memory_space<semaphore_mem>>) src(%dma_wait3A_1450 : memref<128x128xf32, #tpu.memory_space<vmem>>) dst(%dma_wait3A_1456 : memref<204800x128xf32, #tpu.memory_space<hbm>>)
        %dma_wait3A_1457 = arith.constant 1 : i32
        %dma_wait3A_1458 = arith.constant 1 : i32
        %dma_wait3A_1459 = arith.constant 1 : i32
        %dma_wait3A_1460 = arith.constant 128 : i32
        %dma_wait3A_1461 = arith.constant 0 : i32
        %dma_wait3A_1462 = tpu.memref_slice %arg8[%dma_wait3A_1457, %dma_wait3A_1460, %dma_wait3A_1461] : memref<2x256x128xf32, #tpu.memory_space<vmem>> -> memref<1x128x128xf32, #tpu.memory_space<vmem>>
        %dma_wait3A_1463 = tpu.memref_squeeze %dma_wait3A_1462 : memref<1x128x128xf32, #tpu.memory_space<vmem>> -> memref<128x128xf32, #tpu.memory_space<vmem>>
        %dma_wait3A_1464 = arith.constant 0 : i32
        %dma_wait3A_1465 = tpu.memref_slice %arg9[%dma_wait3A_1458, %dma_wait3A_1459, %dma_wait3A_1464] : memref<2x2x128xi32, #tpu.memory_space<vmem>> -> memref<1x1x128xi32, #tpu.memory_space<vmem>>
        %dma_wait3A_1466 = tpu.memref_squeeze %dma_wait3A_1465 : memref<1x1x128xi32, #tpu.memory_space<vmem>> -> memref<128xi32, #tpu.memory_space<vmem>>
        %dma_wait3A_1467 = arith.constant 0 : i32
        %dma_wait3A_1468 = arith.constant 0 : i32
        %dma_wait3A_1469 = tpu.memref_slice %arg5[%dma_wait3A_1467, %dma_wait3A_1468] : memref<204800x128xf32, #tpu.memory_space<hbm>> -> memref<204800x128xf32, #tpu.memory_space<hbm>>
        tpu.wait_indirect_dma semaphore(%arg14 : memref<!tpu.dma_semaphore, #tpu.memory_space<semaphore_mem>>) src(%dma_wait3A_1463 : memref<128x128xf32, #tpu.memory_space<vmem>>) dst(%dma_wait3A_1469 : memref<204800x128xf32, #tpu.memory_space<hbm>>)
      } else {
      }
      %add3A_540 = arith.constant 1 : i32
      %add3A_541 = arith.addi %mul3A_537, %add3A_540 : i32
      %mul3A_542 = arith.constant 256 : i32
      %mul3A_543 = arith.muli %add3A_541, %mul3A_542 : i32
      %add3A_544 = arith.constant 0 : i32
      %add3A_545 = arith.addi %mul3A_543, %add3A_544 : i32
      %dma_start3A_546 = arith.constant 1 : i32
      %dma_start3A_547 = arith.constant 0 : i32
      %dma_start3A_548 = arith.constant 0 : i32
      %dma_start3A_549 = tpu.memref_slice %arg8[%dma_start3A_546, %dma_start3A_547, %dma_start3A_548] : memref<2x256x128xf32, #tpu.memory_space<vmem>> -> memref<1x128x128xf32, #tpu.memory_space<vmem>>
      %dma_start3A_550 = tpu.memref_squeeze %dma_start3A_549 : memref<1x128x128xf32, #tpu.memory_space<vmem>> -> memref<128x128xf32, #tpu.memory_space<vmem>>
      %dma_start3A_551 = tpu.memref_slice %arg6[%add3A_545] : memref<6400xi32, #tpu.memory_space<vmem>> -> memref<128xi32, #tpu.memory_space<vmem>>
      %dma_start3A_552 = arith.constant 0 : i32
      %dma_start3A_553 = arith.constant 0 : i32
      %dma_start3A_554 = tpu.memref_slice %arg3[%dma_start3A_552, %dma_start3A_553] : memref<100000x128xf32, #tpu.memory_space<hbm>> -> memref<100000x128xf32, #tpu.memory_space<hbm>>
      tpu.enqueue_indirect_dma source(%dma_start3A_554 : memref<100000x128xf32, #tpu.memory_space<hbm>>) target(%dma_start3A_550 : memref<128x128xf32, #tpu.memory_space<vmem>>) offsets(%dma_start3A_551 : memref<128xi32, #tpu.memory_space<vmem>>) semaphore(%arg12 : memref<!tpu.dma_semaphore, #tpu.memory_space<semaphore_mem>>)
      %mul3A_555 = arith.constant 256 : i32
      %mul3A_556 = arith.muli %add3A_541, %mul3A_555 : i32
      %add3A_557 = arith.constant 128 : i32
      %add3A_558 = arith.addi %mul3A_556, %add3A_557 : i32
      %dma_start3A_559 = arith.constant 1 : i32
      %dma_start3A_560 = arith.constant 128 : i32
      %dma_start3A_561 = arith.constant 0 : i32
      %dma_start3A_562 = tpu.memref_slice %arg8[%dma_start3A_559, %dma_start3A_560, %dma_start3A_561] : memref<2x256x128xf32, #tpu.memory_space<vmem>> -> memref<1x128x128xf32, #tpu.memory_space<vmem>>
      %dma_start3A_563 = tpu.memref_squeeze %dma_start3A_562 : memref<1x128x128xf32, #tpu.memory_space<vmem>> -> memref<128x128xf32, #tpu.memory_space<vmem>>
      %dma_start3A_564 = tpu.memref_slice %arg6[%add3A_558] : memref<6400xi32, #tpu.memory_space<vmem>> -> memref<128xi32, #tpu.memory_space<vmem>>
      %dma_start3A_565 = arith.constant 0 : i32
      %dma_start3A_566 = arith.constant 0 : i32
      %dma_start3A_567 = tpu.memref_slice %arg3[%dma_start3A_565, %dma_start3A_566] : memref<100000x128xf32, #tpu.memory_space<hbm>> -> memref<100000x128xf32, #tpu.memory_space<hbm>>
      tpu.enqueue_indirect_dma source(%dma_start3A_567 : memref<100000x128xf32, #tpu.memory_space<hbm>>) target(%dma_start3A_563 : memref<128x128xf32, #tpu.memory_space<vmem>>) offsets(%dma_start3A_564 : memref<128xi32, #tpu.memory_space<vmem>>) semaphore(%arg12 : memref<!tpu.dma_semaphore, #tpu.memory_space<semaphore_mem>>)
      %mul3A_568 = arith.constant 256 : i32
      %mul3A_569 = arith.muli %mul3A_537, %mul3A_568 : i32
      %add3A_570 = arith.constant 0 : i32
      %add3A_571 = arith.addi %mul3A_569, %add3A_570 : i32
      %mul3A_572 = arith.constant 256 : i32
      %mul3A_573 = arith.muli %mul3A_537, %mul3A_572 : i32
      %add3A_574 = arith.constant 128 : i32
      %add3A_575 = arith.addi %mul3A_573, %add3A_574 : i32
      %dma_wait3A_576 = arith.constant 0 : i32
      %dma_wait3A_577 = arith.constant 0 : i32
      %dma_wait3A_578 = arith.constant 0 : i32
      %dma_wait3A_579 = tpu.memref_slice %arg8[%dma_wait3A_576, %dma_wait3A_577, %dma_wait3A_578] : memref<2x256x128xf32, #tpu.memory_space<vmem>> -> memref<1x128x128xf32, #tpu.memory_space<vmem>>
      %dma_wait3A_580 = tpu.memref_squeeze %dma_wait3A_579 : memref<1x128x128xf32, #tpu.memory_space<vmem>> -> memref<128x128xf32, #tpu.memory_space<vmem>>
      %dma_wait3A_581 = tpu.memref_slice %arg6[%add3A_571] : memref<6400xi32, #tpu.memory_space<vmem>> -> memref<128xi32, #tpu.memory_space<vmem>>
      %dma_wait3A_582 = arith.constant 0 : i32
      %dma_wait3A_583 = arith.constant 0 : i32
      %dma_wait3A_584 = tpu.memref_slice %arg3[%dma_wait3A_582, %dma_wait3A_583] : memref<100000x128xf32, #tpu.memory_space<hbm>> -> memref<100000x128xf32, #tpu.memory_space<hbm>>
      tpu.wait_indirect_dma semaphore(%arg11 : memref<!tpu.dma_semaphore, #tpu.memory_space<semaphore_mem>>) src(%dma_wait3A_584 : memref<100000x128xf32, #tpu.memory_space<hbm>>) dst(%dma_wait3A_580 : memref<128x128xf32, #tpu.memory_space<vmem>>)
      %dma_wait3A_585 = arith.constant 0 : i32
      %dma_wait3A_586 = arith.constant 128 : i32
      %dma_wait3A_587 = arith.constant 0 : i32
      %dma_wait3A_588 = tpu.memref_slice %arg8[%dma_wait3A_585, %dma_wait3A_586, %dma_wait3A_587] : memref<2x256x128xf32, #tpu.memory_space<vmem>> -> memref<1x128x128xf32, #tpu.memory_space<vmem>>
      %dma_wait3A_589 = tpu.memref_squeeze %dma_wait3A_588 : memref<1x128x128xf32, #tpu.memory_space<vmem>> -> memref<128x128xf32, #tpu.memory_space<vmem>>
      %dma_wait3A_590 = tpu.memref_slice %arg6[%add3A_575] : memref<6400xi32, #tpu.memory_space<vmem>> -> memref<128xi32, #tpu.memory_space<vmem>>
      %dma_wait3A_591 = arith.constant 0 : i32
      %dma_wait3A_592 = arith.constant 0 : i32
      %dma_wait3A_593 = tpu.memref_slice %arg3[%dma_wait3A_591, %dma_wait3A_592] : memref<100000x128xf32, #tpu.memory_space<hbm>> -> memref<100000x128xf32, #tpu.memory_space<hbm>>
      tpu.wait_indirect_dma semaphore(%arg11 : memref<!tpu.dma_semaphore, #tpu.memory_space<semaphore_mem>>) src(%dma_wait3A_593 : memref<100000x128xf32, #tpu.memory_space<hbm>>) dst(%dma_wait3A_589 : memref<128x128xf32, #tpu.memory_space<vmem>>)
      %add3A_594 = arith.addi %mul3A_2, %mul3A_537 : i32
      %jit3A_595 = arith.constant 4 : i32
      %div3A_596 = arith.divsi %add3A_594, %jit3A_595 : i32
      %sign3A_597 = arith.constant 0 : i32
      %sign3A_598 = arith.cmpi sgt, %add3A_594, %sign3A_597 : i32
      %sign3A_599 = arith.extui %sign3A_598 : i1 to i32
      %sign3A_600 = arith.constant 0 : i32
      %sign3A_601 = arith.cmpi slt, %add3A_594, %sign3A_600 : i32
      %sign3A_602 = arith.extui %sign3A_601 : i1 to i32
      %sign3A_603 = arith.subi %sign3A_599, %sign3A_602 : i32
      %sign3A_604 = arith.constant 0 : i32
      %sign3A_605 = arith.cmpi sgt, %jit3A_595, %sign3A_604 : i32
      %sign3A_606 = arith.extui %sign3A_605 : i1 to i32
      %sign3A_607 = arith.constant 0 : i32
      %sign3A_608 = arith.cmpi slt, %jit3A_595, %sign3A_607 : i32
      %sign3A_609 = arith.extui %sign3A_608 : i1 to i32
      %sign3A_610 = arith.subi %sign3A_606, %sign3A_609 : i32
      %ne3A_611 = arith.cmpi ne, %sign3A_603, %sign3A_610 : i32
      %rem3A_612 = arith.remsi %add3A_594, %jit3A_595 : i32
      %ne3A_613 = arith.constant 0 : i32
      %ne3A_614 = arith.cmpi ne, %rem3A_612, %ne3A_613 : i32
      %and3A_615 = arith.andi %ne3A_611, %ne3A_614 : i1
      %sub3A_616 = arith.constant 1 : i32
      %sub3A_617 = arith.subi %div3A_596, %sub3A_616 : i32
      %select_n3A_618 = arith.select %and3A_615, %sub3A_617, %div3A_596 : i32
      %jit3A_619 = arith.constant 4 : i32
      %eq3A_620 = arith.constant 0 : i32
      %eq3A_621 = arith.cmpi eq, %jit3A_619, %eq3A_620 : i32
      %jit3A_622 = arith.constant 1 : i32
      %select_n3A_623 = arith.select %eq3A_621, %jit3A_622, %jit3A_619 : i32
      %rem3A_624 = arith.remsi %add3A_594, %select_n3A_623 : i32
      %ne3A_625 = arith.constant 0 : i32
      %ne3A_626 = arith.cmpi ne, %rem3A_624, %ne3A_625 : i32
      %lt3A_627 = arith.constant 0 : i32
      %lt3A_628 = arith.cmpi slt, %rem3A_624, %lt3A_627 : i32
      %lt3A_629 = arith.constant 0 : i32
      %lt3A_630 = arith.cmpi slt, %select_n3A_623, %lt3A_629 : i32
      %ne3A_631 = arith.xori %lt3A_628, %lt3A_630 : i1
      %and3A_632 = arith.andi %ne3A_631, %ne3A_626 : i1
      %add3A_633 = arith.addi %rem3A_624, %select_n3A_623 : i32
      %select_n3A_634 = arith.select %and3A_632, %add3A_633, %rem3A_624 : i32
      %mul3A_635 = arith.constant 256 : i32
      %mul3A_636 = arith.muli %select_n3A_634, %mul3A_635 : i32
      %sub3A_637 = arith.subi %select_n3A_618, %min3A_45 : i32
      %get3A_638 = arith.index_cast %sub3A_637 : i32 to index
      %get3A_639 = arith.constant 0 : index
      %get3A_640 = tpu.vector_load %arg7[%get3A_638, %get3A_639] {strides = array<i32>} : memref<16x128xf32, #tpu.memory_space<vmem>>, vector<1x16xf32>,
      %get3A_641 = vector.shape_cast %get3A_640 : vector<1x16xf32> to vector<16xf32>
      %get3A_642 = arith.index_cast %sub3A_637 : i32 to index
      %get3A_643 = arith.constant 16 : index
      %get3A_644 = tpu.vector_load %arg7[%get3A_642, %get3A_643] {strides = array<i32>} : memref<16x128xf32, #tpu.memory_space<vmem>>, vector<1x16xf32>,
      %get3A_645 = vector.shape_cast %get3A_644 : vector<1x16xf32> to vector<16xf32>
      %get3A_646 = arith.index_cast %sub3A_637 : i32 to index
      %get3A_647 = arith.constant 32 : index
      %get3A_648 = tpu.vector_load %arg7[%get3A_646, %get3A_647] {strides = array<i32>} : memref<16x128xf32, #tpu.memory_space<vmem>>, vector<1x16xf32>,
      %get3A_649 = vector.shape_cast %get3A_648 : vector<1x16xf32> to vector<16xf32>
      %get3A_650 = arith.index_cast %sub3A_637 : i32 to index
      %get3A_651 = arith.constant 48 : index
      %get3A_652 = tpu.vector_load %arg7[%get3A_650, %get3A_651] {strides = array<i32>} : memref<16x128xf32, #tpu.memory_space<vmem>>, vector<1x16xf32>,
      %get3A_653 = vector.shape_cast %get3A_652 : vector<1x16xf32> to vector<16xf32>
      %get3A_654 = arith.index_cast %sub3A_637 : i32 to index
      %get3A_655 = arith.constant 64 : index
      %get3A_656 = tpu.vector_load %arg7[%get3A_654, %get3A_655] {strides = array<i32>} : memref<16x128xf32, #tpu.memory_space<vmem>>, vector<1x16xf32>,
      %get3A_657 = vector.shape_cast %get3A_656 : vector<1x16xf32> to vector<16xf32>
      %get3A_658 = arith.index_cast %sub3A_637 : i32 to index
      %get3A_659 = arith.constant 80 : index
      %get3A_660 = tpu.vector_load %arg7[%get3A_658, %get3A_659] {strides = array<i32>} : memref<16x128xf32, #tpu.memory_space<vmem>>, vector<1x16xf32>,
      %get3A_661 = vector.shape_cast %get3A_660 : vector<1x16xf32> to vector<16xf32>
      %get3A_662 = arith.index_cast %sub3A_637 : i32 to index
      %get3A_663 = arith.constant 96 : index
      %get3A_664 = tpu.vector_load %arg7[%get3A_662, %get3A_663] {strides = array<i32>} : memref<16x128xf32, #tpu.memory_space<vmem>>, vector<1x16xf32>,
      %get3A_665 = vector.shape_cast %get3A_664 : vector<1x16xf32> to vector<16xf32>
      %get3A_666 = arith.index_cast %sub3A_637 : i32 to index
      %get3A_667 = arith.constant 112 : index
      %get3A_668 = tpu.vector_load %arg7[%get3A_666, %get3A_667] {strides = array<i32>} : memref<16x128xf32, #tpu.memory_space<vmem>>, vector<1x16xf32>,
      %get3A_669 = vector.shape_cast %get3A_668 : vector<1x16xf32> to vector<16xf32>
      %scan3A_670 = arith.constant 0 : i32
      %scan3A_671 = arith.constant 0 : i32
      %scan3A_672 = arith.constant 256 : i32
      %scan3A_673 = arith.addi %scan3A_671, %scan3A_672 : i32
      %scan3A_674 = arith.constant 1 : i32
      scf.for %scan3A_1444 = %scan3A_671 to %scan3A_673 step %scan3A_674  : i32 {
        %get3A_1445 = arith.constant 0 : i32
        %get3A_1446 = arith.index_cast %get3A_1445 : i32 to index
        %get3A_1447 = arith.index_cast %scan3A_1444 : i32 to index
        %get3A_1448 = arith.constant 0 : index
        %get3A_1449 = tpu.vector_load %arg8[%get3A_1446, %get3A_1447, %get3A_1448] {strides = array<i32>} : memref<2x256x128xf32, #tpu.memory_space<vmem>>, vector<1x1x16xf32>,
        %get3A_1450 = vector.shape_cast %get3A_1449 : vector<1x1x16xf32> to vector<16xf32>
        %add3A_1451 = arith.addf %get3A_1450, %get3A_641 : vector<16xf32>
        %swap3A_1452 = arith.constant 0 : i32
        %swap3A_1453 = arith.index_cast %swap3A_1452 : i32 to index
        %swap3A_1454 = arith.index_cast %scan3A_1444 : i32 to index
        %swap3A_1455 = arith.constant 0 : index
        %swap3A_1456 = tpu.vector_load %arg8[%swap3A_1453, %swap3A_1454, %swap3A_1455] {strides = array<i32>} : memref<2x256x128xf32, #tpu.memory_space<vmem>>, vector<1x1x16xf32>,
        %swap3A_1457 = vector.shape_cast %swap3A_1456 : vector<1x1x16xf32> to vector<16xf32>
        %swap3A_1458 = vector.shape_cast %add3A_1451 : vector<16xf32> to vector<1x1x16xf32>
        tpu.vector_store %arg8[%swap3A_1453, %swap3A_1454, %swap3A_1455], %swap3A_1458 {strides = array<i32>} : memref<2x256x128xf32, #tpu.memory_space<vmem>>, vector<1x1x16xf32>,
        %get3A_1459 = arith.constant 0 : i32
        %get3A_1460 = arith.index_cast %get3A_1459 : i32 to index
        %get3A_1461 = arith.index_cast %scan3A_1444 : i32 to index
        %get3A_1462 = arith.constant 16 : index
        %get3A_1463 = tpu.vector_load %arg8[%get3A_1460, %get3A_1461, %get3A_1462] {strides = array<i32>} : memref<2x256x128xf32, #tpu.memory_space<vmem>>, vector<1x1x16xf32>,
        %get3A_1464 = vector.shape_cast %get3A_1463 : vector<1x1x16xf32> to vector<16xf32>
        %add3A_1465 = arith.addf %get3A_1464, %get3A_645 : vector<16xf32>
        %swap3A_1466 = arith.constant 0 : i32
        %swap3A_1467 = arith.index_cast %swap3A_1466 : i32 to index
        %swap3A_1468 = arith.index_cast %scan3A_1444 : i32 to index
        %swap3A_1469 = arith.constant 16 : index
        %swap3A_1470 = tpu.vector_load %arg8[%swap3A_1467, %swap3A_1468, %swap3A_1469] {strides = array<i32>} : memref<2x256x128xf32, #tpu.memory_space<vmem>>, vector<1x1x16xf32>,
        %swap3A_1471 = vector.shape_cast %swap3A_1470 : vector<1x1x16xf32> to vector<16xf32>
        %swap3A_1472 = vector.shape_cast %add3A_1465 : vector<16xf32> to vector<1x1x16xf32>
        tpu.vector_store %arg8[%swap3A_1467, %swap3A_1468, %swap3A_1469], %swap3A_1472 {strides = array<i32>} : memref<2x256x128xf32, #tpu.memory_space<vmem>>, vector<1x1x16xf32>,
        %get3A_1473 = arith.constant 0 : i32
        %get3A_1474 = arith.index_cast %get3A_1473 : i32 to index
        %get3A_1475 = arith.index_cast %scan3A_1444 : i32 to index
        %get3A_1476 = arith.constant 32 : index
        %get3A_1477 = tpu.vector_load %arg8[%get3A_1474, %get3A_1475, %get3A_1476] {strides = array<i32>} : memref<2x256x128xf32, #tpu.memory_space<vmem>>, vector<1x1x16xf32>,
        %get3A_1478 = vector.shape_cast %get3A_1477 : vector<1x1x16xf32> to vector<16xf32>
        %add3A_1479 = arith.addf %get3A_1478, %get3A_649 : vector<16xf32>
        %swap3A_1480 = arith.constant 0 : i32
        %swap3A_1481 = arith.index_cast %swap3A_1480 : i32 to index
        %swap3A_1482 = arith.index_cast %scan3A_1444 : i32 to index
        %swap3A_1483 = arith.constant 32 : index
        %swap3A_1484 = tpu.vector_load %arg8[%swap3A_1481, %swap3A_1482, %swap3A_1483] {strides = array<i32>} : memref<2x256x128xf32, #tpu.memory_space<vmem>>, vector<1x1x16xf32>,
        %swap3A_1485 = vector.shape_cast %swap3A_1484 : vector<1x1x16xf32> to vector<16xf32>
        %swap3A_1486 = vector.shape_cast %add3A_1479 : vector<16xf32> to vector<1x1x16xf32>
        tpu.vector_store %arg8[%swap3A_1481, %swap3A_1482, %swap3A_1483], %swap3A_1486 {strides = array<i32>} : memref<2x256x128xf32, #tpu.memory_space<vmem>>, vector<1x1x16xf32>,
        %get3A_1487 = arith.constant 0 : i32
        %get3A_1488 = arith.index_cast %get3A_1487 : i32 to index
        %get3A_1489 = arith.index_cast %scan3A_1444 : i32 to index
        %get3A_1490 = arith.constant 48 : index
        %get3A_1491 = tpu.vector_load %arg8[%get3A_1488, %get3A_1489, %get3A_1490] {strides = array<i32>} : memref<2x256x128xf32, #tpu.memory_space<vmem>>, vector<1x1x16xf32>,
        %get3A_1492 = vector.shape_cast %get3A_1491 : vector<1x1x16xf32> to vector<16xf32>
        %add3A_1493 = arith.addf %get3A_1492, %get3A_653 : vector<16xf32>
        %swap3A_1494 = arith.constant 0 : i32
        %swap3A_1495 = arith.index_cast %swap3A_1494 : i32 to index
        %swap3A_1496 = arith.index_cast %scan3A_1444 : i32 to index
        %swap3A_1497 = arith.constant 48 : index
        %swap3A_1498 = tpu.vector_load %arg8[%swap3A_1495, %swap3A_1496, %swap3A_1497] {strides = array<i32>} : memref<2x256x128xf32, #tpu.memory_space<vmem>>, vector<1x1x16xf32>,
        %swap3A_1499 = vector.shape_cast %swap3A_1498 : vector<1x1x16xf32> to vector<16xf32>
        %swap3A_1500 = vector.shape_cast %add3A_1493 : vector<16xf32> to vector<1x1x16xf32>
        tpu.vector_store %arg8[%swap3A_1495, %swap3A_1496, %swap3A_1497], %swap3A_1500 {strides = array<i32>} : memref<2x256x128xf32, #tpu.memory_space<vmem>>, vector<1x1x16xf32>,
        %get3A_1501 = arith.constant 0 : i32
        %get3A_1502 = arith.index_cast %get3A_1501 : i32 to index
        %get3A_1503 = arith.index_cast %scan3A_1444 : i32 to index
        %get3A_1504 = arith.constant 64 : index
        %get3A_1505 = tpu.vector_load %arg8[%get3A_1502, %get3A_1503, %get3A_1504] {strides = array<i32>} : memref<2x256x128xf32, #tpu.memory_space<vmem>>, vector<1x1x16xf32>,
        %get3A_1506 = vector.shape_cast %get3A_1505 : vector<1x1x16xf32> to vector<16xf32>
        %add3A_1507 = arith.addf %get3A_1506, %get3A_657 : vector<16xf32>
        %swap3A_1508 = arith.constant 0 : i32
        %swap3A_1509 = arith.index_cast %swap3A_1508 : i32 to index
        %swap3A_1510 = arith.index_cast %scan3A_1444 : i32 to index
        %swap3A_1511 = arith.constant 64 : index
        %swap3A_1512 = tpu.vector_load %arg8[%swap3A_1509, %swap3A_1510, %swap3A_1511] {strides = array<i32>} : memref<2x256x128xf32, #tpu.memory_space<vmem>>, vector<1x1x16xf32>,
        %swap3A_1513 = vector.shape_cast %swap3A_1512 : vector<1x1x16xf32> to vector<16xf32>
        %swap3A_1514 = vector.shape_cast %add3A_1507 : vector<16xf32> to vector<1x1x16xf32>
        tpu.vector_store %arg8[%swap3A_1509, %swap3A_1510, %swap3A_1511], %swap3A_1514 {strides = array<i32>} : memref<2x256x128xf32, #tpu.memory_space<vmem>>, vector<1x1x16xf32>,
        %get3A_1515 = arith.constant 0 : i32
        %get3A_1516 = arith.index_cast %get3A_1515 : i32 to index
        %get3A_1517 = arith.index_cast %scan3A_1444 : i32 to index
        %get3A_1518 = arith.constant 80 : index
        %get3A_1519 = tpu.vector_load %arg8[%get3A_1516, %get3A_1517, %get3A_1518] {strides = array<i32>} : memref<2x256x128xf32, #tpu.memory_space<vmem>>, vector<1x1x16xf32>,
        %get3A_1520 = vector.shape_cast %get3A_1519 : vector<1x1x16xf32> to vector<16xf32>
        %add3A_1521 = arith.addf %get3A_1520, %get3A_661 : vector<16xf32>
        %swap3A_1522 = arith.constant 0 : i32
        %swap3A_1523 = arith.index_cast %swap3A_1522 : i32 to index
        %swap3A_1524 = arith.index_cast %scan3A_1444 : i32 to index
        %swap3A_1525 = arith.constant 80 : index
        %swap3A_1526 = tpu.vector_load %arg8[%swap3A_1523, %swap3A_1524, %swap3A_1525] {strides = array<i32>} : memref<2x256x128xf32, #tpu.memory_space<vmem>>, vector<1x1x16xf32>,
        %swap3A_1527 = vector.shape_cast %swap3A_1526 : vector<1x1x16xf32> to vector<16xf32>
        %swap3A_1528 = vector.shape_cast %add3A_1521 : vector<16xf32> to vector<1x1x16xf32>
        tpu.vector_store %arg8[%swap3A_1523, %swap3A_1524, %swap3A_1525], %swap3A_1528 {strides = array<i32>} : memref<2x256x128xf32, #tpu.memory_space<vmem>>, vector<1x1x16xf32>,
        %get3A_1529 = arith.constant 0 : i32
        %get3A_1530 = arith.index_cast %get3A_1529 : i32 to index
        %get3A_1531 = arith.index_cast %scan3A_1444 : i32 to index
        %get3A_1532 = arith.constant 96 : index
        %get3A_1533 = tpu.vector_load %arg8[%get3A_1530, %get3A_1531, %get3A_1532] {strides = array<i32>} : memref<2x256x128xf32, #tpu.memory_space<vmem>>, vector<1x1x16xf32>,
        %get3A_1534 = vector.shape_cast %get3A_1533 : vector<1x1x16xf32> to vector<16xf32>
        %add3A_1535 = arith.addf %get3A_1534, %get3A_665 : vector<16xf32>
        %swap3A_1536 = arith.constant 0 : i32
        %swap3A_1537 = arith.index_cast %swap3A_1536 : i32 to index
        %swap3A_1538 = arith.index_cast %scan3A_1444 : i32 to index
        %swap3A_1539 = arith.constant 96 : index
        %swap3A_1540 = tpu.vector_load %arg8[%swap3A_1537, %swap3A_1538, %swap3A_1539] {strides = array<i32>} : memref<2x256x128xf32, #tpu.memory_space<vmem>>, vector<1x1x16xf32>,
        %swap3A_1541 = vector.shape_cast %swap3A_1540 : vector<1x1x16xf32> to vector<16xf32>
        %swap3A_1542 = vector.shape_cast %add3A_1535 : vector<16xf32> to vector<1x1x16xf32>
        tpu.vector_store %arg8[%swap3A_1537, %swap3A_1538, %swap3A_1539], %swap3A_1542 {strides = array<i32>} : memref<2x256x128xf32, #tpu.memory_space<vmem>>, vector<1x1x16xf32>,
        %get3A_1543 = arith.constant 0 : i32
        %get3A_1544 = arith.index_cast %get3A_1543 : i32 to index
        %get3A_1545 = arith.index_cast %scan3A_1444 : i32 to index
        %get3A_1546 = arith.constant 112 : index
        %get3A_1547 = tpu.vector_load %arg8[%get3A_1544, %get3A_1545, %get3A_1546] {strides = array<i32>} : memref<2x256x128xf32, #tpu.memory_space<vmem>>, vector<1x1x16xf32>,
        %get3A_1548 = vector.shape_cast %get3A_1547 : vector<1x1x16xf32> to vector<16xf32>
        %add3A_1549 = arith.addf %get3A_1548, %get3A_669 : vector<16xf32>
        %swap3A_1550 = arith.constant 0 : i32
        %swap3A_1551 = arith.index_cast %swap3A_1550 : i32 to index
        %swap3A_1552 = arith.index_cast %scan3A_1444 : i32 to index
        %swap3A_1553 = arith.constant 112 : index
        %swap3A_1554 = tpu.vector_load %arg8[%swap3A_1551, %swap3A_1552, %swap3A_1553] {strides = array<i32>} : memref<2x256x128xf32, #tpu.memory_space<vmem>>, vector<1x1x16xf32>,
        %swap3A_1555 = vector.shape_cast %swap3A_1554 : vector<1x1x16xf32> to vector<16xf32>
        %swap3A_1556 = vector.shape_cast %add3A_1549 : vector<16xf32> to vector<1x1x16xf32>
        tpu.vector_store %arg8[%swap3A_1551, %swap3A_1552, %swap3A_1553], %swap3A_1556 {strides = array<i32>} : memref<2x256x128xf32, #tpu.memory_space<vmem>>, vector<1x1x16xf32>,
      }
      %scan3A_675 = arith.constant 256 : i32
      %iota3A_676 = tpu.iota {dimensions = array<i32: 0>} : vector<16xi32>
      %mul3A_677 = arith.constant 200 : i32
      %mul3A_678 = vector.broadcast %mul3A_677 : i32 to vector<16xi32>
      %mul3A_679 = arith.muli %iota3A_676, %mul3A_678 : vector<16xi32>
      %add3A_680 = arith.constant 0 : i32
      %add3A_681 = arith.addi %mul3A_636, %add3A_680 : i32
      %add3A_682 = arith.constant 0 : i32
      %add3A_683 = arith.addi %add3A_681, %add3A_682 : i32
      %mul3A_684 = arith.constant 200 : i32
      %mul3A_685 = arith.muli %add3A_683, %mul3A_684 : i32
      %add3A_686 = arith.addi %mul3A_685, %select_n3A_618 : i32
      %add3A_687 = vector.broadcast %add3A_686 : i32 to vector<16xi32>
      %add3A_688 = arith.addi %mul3A_679, %add3A_687 : vector<16xi32>
      %swap3A_689 = arith.constant 0 : i32
      %swap3A_690 = arith.constant 0 : i32
      %swap3A_691 = arith.index_cast %swap3A_689 : i32 to index
      %swap3A_692 = arith.index_cast %swap3A_690 : i32 to index
      %swap3A_693 = arith.constant 0 : index
      %swap3A_694 = tpu.vector_load %arg9[%swap3A_691, %swap3A_692, %swap3A_693] {strides = array<i32>} : memref<2x2x128xi32, #tpu.memory_space<vmem>>, vector<1x1x16xi32>,
      %swap3A_695 = vector.shape_cast %swap3A_694 : vector<1x1x16xi32> to vector<16xi32>
      %swap3A_696 = vector.shape_cast %add3A_688 : vector<16xi32> to vector<1x1x16xi32>
      tpu.vector_store %arg9[%swap3A_691, %swap3A_692, %swap3A_693], %swap3A_696 {strides = array<i32>} : memref<2x2x128xi32, #tpu.memory_space<vmem>>, vector<1x1x16xi32>,
      %add3A_697 = arith.constant 0 : i32
      %add3A_698 = arith.addi %mul3A_636, %add3A_697 : i32
      %add3A_699 = arith.constant 16 : i32
      %add3A_700 = arith.addi %add3A_698, %add3A_699 : i32
      %mul3A_701 = arith.constant 200 : i32
      %mul3A_702 = arith.muli %add3A_700, %mul3A_701 : i32
      %add3A_703 = arith.addi %mul3A_702, %select_n3A_618 : i32
      %add3A_704 = vector.broadcast %add3A_703 : i32 to vector<16xi32>
      %add3A_705 = arith.addi %mul3A_679, %add3A_704 : vector<16xi32>
      %swap3A_706 = arith.constant 0 : i32
      %swap3A_707 = arith.constant 0 : i32
      %swap3A_708 = arith.index_cast %swap3A_706 : i32 to index
      %swap3A_709 = arith.index_cast %swap3A_707 : i32 to index
      %swap3A_710 = arith.constant 16 : index
      %swap3A_711 = tpu.vector_load %arg9[%swap3A_708, %swap3A_709, %swap3A_710] {strides = array<i32>} : memref<2x2x128xi32, #tpu.memory_space<vmem>>, vector<1x1x16xi32>,
      %swap3A_712 = vector.shape_cast %swap3A_711 : vector<1x1x16xi32> to vector<16xi32>
      %swap3A_713 = vector.shape_cast %add3A_705 : vector<16xi32> to vector<1x1x16xi32>
      tpu.vector_store %arg9[%swap3A_708, %swap3A_709, %swap3A_710], %swap3A_713 {strides = array<i32>} : memref<2x2x128xi32, #tpu.memory_space<vmem>>, vector<1x1x16xi32>,
      %add3A_714 = arith.constant 0 : i32
      %add3A_715 = arith.addi %mul3A_636, %add3A_714 : i32
      %add3A_716 = arith.constant 32 : i32
      %add3A_717 = arith.addi %add3A_715, %add3A_716 : i32
      %mul3A_718 = arith.constant 200 : i32
      %mul3A_719 = arith.muli %add3A_717, %mul3A_718 : i32
      %add3A_720 = arith.addi %mul3A_719, %select_n3A_618 : i32
      %add3A_721 = vector.broadcast %add3A_720 : i32 to vector<16xi32>
      %add3A_722 = arith.addi %mul3A_679, %add3A_721 : vector<16xi32>
      %swap3A_723 = arith.constant 0 : i32
      %swap3A_724 = arith.constant 0 : i32
      %swap3A_725 = arith.index_cast %swap3A_723 : i32 to index
      %swap3A_726 = arith.index_cast %swap3A_724 : i32 to index
      %swap3A_727 = arith.constant 32 : index
      %swap3A_728 = tpu.vector_load %arg9[%swap3A_725, %swap3A_726, %swap3A_727] {strides = array<i32>} : memref<2x2x128xi32, #tpu.memory_space<vmem>>, vector<1x1x16xi32>,
      %swap3A_729 = vector.shape_cast %swap3A_728 : vector<1x1x16xi32> to vector<16xi32>
      %swap3A_730 = vector.shape_cast %add3A_722 : vector<16xi32> to vector<1x1x16xi32>
      tpu.vector_store %arg9[%swap3A_725, %swap3A_726, %swap3A_727], %swap3A_730 {strides = array<i32>} : memref<2x2x128xi32, #tpu.memory_space<vmem>>, vector<1x1x16xi32>,
      %add3A_731 = arith.constant 0 : i32
      %add3A_732 = arith.addi %mul3A_636, %add3A_731 : i32
      %add3A_733 = arith.constant 48 : i32
      %add3A_734 = arith.addi %add3A_732, %add3A_733 : i32
      %mul3A_735 = arith.constant 200 : i32
      %mul3A_736 = arith.muli %add3A_734, %mul3A_735 : i32
      %add3A_737 = arith.addi %mul3A_736, %select_n3A_618 : i32
      %add3A_738 = vector.broadcast %add3A_737 : i32 to vector<16xi32>
      %add3A_739 = arith.addi %mul3A_679, %add3A_738 : vector<16xi32>
      %swap3A_740 = arith.constant 0 : i32
      %swap3A_741 = arith.constant 0 : i32
      %swap3A_742 = arith.index_cast %swap3A_740 : i32 to index
      %swap3A_743 = arith.index_cast %swap3A_741 : i32 to index
      %swap3A_744 = arith.constant 48 : index
      %swap3A_745 = tpu.vector_load %arg9[%swap3A_742, %swap3A_743, %swap3A_744] {strides = array<i32>} : memref<2x2x128xi32, #tpu.memory_space<vmem>>, vector<1x1x16xi32>,
      %swap3A_746 = vector.shape_cast %swap3A_745 : vector<1x1x16xi32> to vector<16xi32>
      %swap3A_747 = vector.shape_cast %add3A_739 : vector<16xi32> to vector<1x1x16xi32>
      tpu.vector_store %arg9[%swap3A_742, %swap3A_743, %swap3A_744], %swap3A_747 {strides = array<i32>} : memref<2x2x128xi32, #tpu.memory_space<vmem>>, vector<1x1x16xi32>,
      %add3A_748 = arith.constant 0 : i32
      %add3A_749 = arith.addi %mul3A_636, %add3A_748 : i32
      %add3A_750 = arith.constant 64 : i32
      %add3A_751 = arith.addi %add3A_749, %add3A_750 : i32
      %mul3A_752 = arith.constant 200 : i32
      %mul3A_753 = arith.muli %add3A_751, %mul3A_752 : i32
      %add3A_754 = arith.addi %mul3A_753, %select_n3A_618 : i32
      %add3A_755 = vector.broadcast %add3A_754 : i32 to vector<16xi32>
      %add3A_756 = arith.addi %mul3A_679, %add3A_755 : vector<16xi32>
      %swap3A_757 = arith.constant 0 : i32
      %swap3A_758 = arith.constant 0 : i32
      %swap3A_759 = arith.index_cast %swap3A_757 : i32 to index
      %swap3A_760 = arith.index_cast %swap3A_758 : i32 to index
      %swap3A_761 = arith.constant 64 : index
      %swap3A_762 = tpu.vector_load %arg9[%swap3A_759, %swap3A_760, %swap3A_761] {strides = array<i32>} : memref<2x2x128xi32, #tpu.memory_space<vmem>>, vector<1x1x16xi32>,
      %swap3A_763 = vector.shape_cast %swap3A_762 : vector<1x1x16xi32> to vector<16xi32>
      %swap3A_764 = vector.shape_cast %add3A_756 : vector<16xi32> to vector<1x1x16xi32>
      tpu.vector_store %arg9[%swap3A_759, %swap3A_760, %swap3A_761], %swap3A_764 {strides = array<i32>} : memref<2x2x128xi32, #tpu.memory_space<vmem>>, vector<1x1x16xi32>,
      %add3A_765 = arith.constant 0 : i32
      %add3A_766 = arith.addi %mul3A_636, %add3A_765 : i32
      %add3A_767 = arith.constant 80 : i32
      %add3A_768 = arith.addi %add3A_766, %add3A_767 : i32
      %mul3A_769 = arith.constant 200 : i32
      %mul3A_770 = arith.muli %add3A_768, %mul3A_769 : i32
      %add3A_771 = arith.addi %mul3A_770, %select_n3A_618 : i32
      %add3A_772 = vector.broadcast %add3A_771 : i32 to vector<16xi32>
      %add3A_773 = arith.addi %mul3A_679, %add3A_772 : vector<16xi32>
      %swap3A_774 = arith.constant 0 : i32
      %swap3A_775 = arith.constant 0 : i32
      %swap3A_776 = arith.index_cast %swap3A_774 : i32 to index
      %swap3A_777 = arith.index_cast %swap3A_775 : i32 to index
      %swap3A_778 = arith.constant 80 : index
      %swap3A_779 = tpu.vector_load %arg9[%swap3A_776, %swap3A_777, %swap3A_778] {strides = array<i32>} : memref<2x2x128xi32, #tpu.memory_space<vmem>>, vector<1x1x16xi32>,
      %swap3A_780 = vector.shape_cast %swap3A_779 : vector<1x1x16xi32> to vector<16xi32>
      %swap3A_781 = vector.shape_cast %add3A_773 : vector<16xi32> to vector<1x1x16xi32>
      tpu.vector_store %arg9[%swap3A_776, %swap3A_777, %swap3A_778], %swap3A_781 {strides = array<i32>} : memref<2x2x128xi32, #tpu.memory_space<vmem>>, vector<1x1x16xi32>,
      %add3A_782 = arith.constant 0 : i32
      %add3A_783 = arith.addi %mul3A_636, %add3A_782 : i32
      %add3A_784 = arith.constant 96 : i32
      %add3A_785 = arith.addi %add3A_783, %add3A_784 : i32
      %mul3A_786 = arith.constant 200 : i32
      %mul3A_787 = arith.muli %add3A_785, %mul3A_786 : i32
      %add3A_788 = arith.addi %mul3A_787, %select_n3A_618 : i32
      %add3A_789 = vector.broadcast %add3A_788 : i32 to vector<16xi32>
      %add3A_790 = arith.addi %mul3A_679, %add3A_789 : vector<16xi32>
      %swap3A_791 = arith.constant 0 : i32
      %swap3A_792 = arith.constant 0 : i32
      %swap3A_793 = arith.index_cast %swap3A_791 : i32 to index
      %swap3A_794 = arith.index_cast %swap3A_792 : i32 to index
      %swap3A_795 = arith.constant 96 : index
      %swap3A_796 = tpu.vector_load %arg9[%swap3A_793, %swap3A_794, %swap3A_795] {strides = array<i32>} : memref<2x2x128xi32, #tpu.memory_space<vmem>>, vector<1x1x16xi32>,
      %swap3A_797 = vector.shape_cast %swap3A_796 : vector<1x1x16xi32> to vector<16xi32>
      %swap3A_798 = vector.shape_cast %add3A_790 : vector<16xi32> to vector<1x1x16xi32>
      tpu.vector_store %arg9[%swap3A_793, %swap3A_794, %swap3A_795], %swap3A_798 {strides = array<i32>} : memref<2x2x128xi32, #tpu.memory_space<vmem>>, vector<1x1x16xi32>,
      %add3A_799 = arith.constant 0 : i32
      %add3A_800 = arith.addi %mul3A_636, %add3A_799 : i32
      %add3A_801 = arith.constant 112 : i32
      %add3A_802 = arith.addi %add3A_800, %add3A_801 : i32
      %mul3A_803 = arith.constant 200 : i32
      %mul3A_804 = arith.muli %add3A_802, %mul3A_803 : i32
      %add3A_805 = arith.addi %mul3A_804, %select_n3A_618 : i32
      %add3A_806 = vector.broadcast %add3A_805 : i32 to vector<16xi32>
      %add3A_807 = arith.addi %mul3A_679, %add3A_806 : vector<16xi32>
      %swap3A_808 = arith.constant 0 : i32
      %swap3A_809 = arith.constant 0 : i32
      %swap3A_810 = arith.index_cast %swap3A_808 : i32 to index
      %swap3A_811 = arith.index_cast %swap3A_809 : i32 to index
      %swap3A_812 = arith.constant 112 : index
      %swap3A_813 = tpu.vector_load %arg9[%swap3A_810, %swap3A_811, %swap3A_812] {strides = array<i32>} : memref<2x2x128xi32, #tpu.memory_space<vmem>>, vector<1x1x16xi32>,
      %swap3A_814 = vector.shape_cast %swap3A_813 : vector<1x1x16xi32> to vector<16xi32>
      %swap3A_815 = vector.shape_cast %add3A_807 : vector<16xi32> to vector<1x1x16xi32>
      tpu.vector_store %arg9[%swap3A_810, %swap3A_811, %swap3A_812], %swap3A_815 {strides = array<i32>} : memref<2x2x128xi32, #tpu.memory_space<vmem>>, vector<1x1x16xi32>,
      %add3A_816 = arith.constant 128 : i32
      %add3A_817 = arith.addi %mul3A_636, %add3A_816 : i32
      %add3A_818 = arith.constant 0 : i32
      %add3A_819 = arith.addi %add3A_817, %add3A_818 : i32
      %mul3A_820 = arith.constant 200 : i32
      %mul3A_821 = arith.muli %add3A_819, %mul3A_820 : i32
      %add3A_822 = arith.addi %mul3A_821, %select_n3A_618 : i32
      %add3A_823 = vector.broadcast %add3A_822 : i32 to vector<16xi32>
      %add3A_824 = arith.addi %mul3A_679, %add3A_823 : vector<16xi32>
      %swap3A_825 = arith.constant 0 : i32
      %swap3A_826 = arith.constant 1 : i32
      %swap3A_827 = arith.index_cast %swap3A_825 : i32 to index
      %swap3A_828 = arith.index_cast %swap3A_826 : i32 to index
      %swap3A_829 = arith.constant 0 : index
      %swap3A_830 = tpu.vector_load %arg9[%swap3A_827, %swap3A_828, %swap3A_829] {strides = array<i32>} : memref<2x2x128xi32, #tpu.memory_space<vmem>>, vector<1x1x16xi32>,
      %swap3A_831 = vector.shape_cast %swap3A_830 : vector<1x1x16xi32> to vector<16xi32>
      %swap3A_832 = vector.shape_cast %add3A_824 : vector<16xi32> to vector<1x1x16xi32>
      tpu.vector_store %arg9[%swap3A_827, %swap3A_828, %swap3A_829], %swap3A_832 {strides = array<i32>} : memref<2x2x128xi32, #tpu.memory_space<vmem>>, vector<1x1x16xi32>,
      %add3A_833 = arith.constant 128 : i32
      %add3A_834 = arith.addi %mul3A_636, %add3A_833 : i32
      %add3A_835 = arith.constant 16 : i32
      %add3A_836 = arith.addi %add3A_834, %add3A_835 : i32
      %mul3A_837 = arith.constant 200 : i32
      %mul3A_838 = arith.muli %add3A_836, %mul3A_837 : i32
      %add3A_839 = arith.addi %mul3A_838, %select_n3A_618 : i32
      %add3A_840 = vector.broadcast %add3A_839 : i32 to vector<16xi32>
      %add3A_841 = arith.addi %mul3A_679, %add3A_840 : vector<16xi32>
      %swap3A_842 = arith.constant 0 : i32
      %swap3A_843 = arith.constant 1 : i32
      %swap3A_844 = arith.index_cast %swap3A_842 : i32 to index
      %swap3A_845 = arith.index_cast %swap3A_843 : i32 to index
      %swap3A_846 = arith.constant 16 : index
      %swap3A_847 = tpu.vector_load %arg9[%swap3A_844, %swap3A_845, %swap3A_846] {strides = array<i32>} : memref<2x2x128xi32, #tpu.memory_space<vmem>>, vector<1x1x16xi32>,
      %swap3A_848 = vector.shape_cast %swap3A_847 : vector<1x1x16xi32> to vector<16xi32>
      %swap3A_849 = vector.shape_cast %add3A_841 : vector<16xi32> to vector<1x1x16xi32>
      tpu.vector_store %arg9[%swap3A_844, %swap3A_845, %swap3A_846], %swap3A_849 {strides = array<i32>} : memref<2x2x128xi32, #tpu.memory_space<vmem>>, vector<1x1x16xi32>,
      %add3A_850 = arith.constant 128 : i32
      %add3A_851 = arith.addi %mul3A_636, %add3A_850 : i32
      %add3A_852 = arith.constant 32 : i32
      %add3A_853 = arith.addi %add3A_851, %add3A_852 : i32
      %mul3A_854 = arith.constant 200 : i32
      %mul3A_855 = arith.muli %add3A_853, %mul3A_854 : i32
      %add3A_856 = arith.addi %mul3A_855, %select_n3A_618 : i32
      %add3A_857 = vector.broadcast %add3A_856 : i32 to vector<16xi32>
      %add3A_858 = arith.addi %mul3A_679, %add3A_857 : vector<16xi32>
      %swap3A_859 = arith.constant 0 : i32
      %swap3A_860 = arith.constant 1 : i32
      %swap3A_861 = arith.index_cast %swap3A_859 : i32 to index
      %swap3A_862 = arith.index_cast %swap3A_860 : i32 to index
      %swap3A_863 = arith.constant 32 : index
      %swap3A_864 = tpu.vector_load %arg9[%swap3A_861, %swap3A_862, %swap3A_863] {strides = array<i32>} : memref<2x2x128xi32, #tpu.memory_space<vmem>>, vector<1x1x16xi32>,
      %swap3A_865 = vector.shape_cast %swap3A_864 : vector<1x1x16xi32> to vector<16xi32>
      %swap3A_866 = vector.shape_cast %add3A_858 : vector<16xi32> to vector<1x1x16xi32>
      tpu.vector_store %arg9[%swap3A_861, %swap3A_862, %swap3A_863], %swap3A_866 {strides = array<i32>} : memref<2x2x128xi32, #tpu.memory_space<vmem>>, vector<1x1x16xi32>,
      %add3A_867 = arith.constant 128 : i32
      %add3A_868 = arith.addi %mul3A_636, %add3A_867 : i32
      %add3A_869 = arith.constant 48 : i32
      %add3A_870 = arith.addi %add3A_868, %add3A_869 : i32
      %mul3A_871 = arith.constant 200 : i32
      %mul3A_872 = arith.muli %add3A_870, %mul3A_871 : i32
      %add3A_873 = arith.addi %mul3A_872, %select_n3A_618 : i32
      %add3A_874 = vector.broadcast %add3A_873 : i32 to vector<16xi32>
      %add3A_875 = arith.addi %mul3A_679, %add3A_874 : vector<16xi32>
      %swap3A_876 = arith.constant 0 : i32
      %swap3A_877 = arith.constant 1 : i32
      %swap3A_878 = arith.index_cast %swap3A_876 : i32 to index
      %swap3A_879 = arith.index_cast %swap3A_877 : i32 to index
      %swap3A_880 = arith.constant 48 : index
      %swap3A_881 = tpu.vector_load %arg9[%swap3A_878, %swap3A_879, %swap3A_880] {strides = array<i32>} : memref<2x2x128xi32, #tpu.memory_space<vmem>>, vector<1x1x16xi32>,
      %swap3A_882 = vector.shape_cast %swap3A_881 : vector<1x1x16xi32> to vector<16xi32>
      %swap3A_883 = vector.shape_cast %add3A_875 : vector<16xi32> to vector<1x1x16xi32>
      tpu.vector_store %arg9[%swap3A_878, %swap3A_879, %swap3A_880], %swap3A_883 {strides = array<i32>} : memref<2x2x128xi32, #tpu.memory_space<vmem>>, vector<1x1x16xi32>,
      %add3A_884 = arith.constant 128 : i32
      %add3A_885 = arith.addi %mul3A_636, %add3A_884 : i32
      %add3A_886 = arith.constant 64 : i32
      %add3A_887 = arith.addi %add3A_885, %add3A_886 : i32
      %mul3A_888 = arith.constant 200 : i32
      %mul3A_889 = arith.muli %add3A_887, %mul3A_888 : i32
      %add3A_890 = arith.addi %mul3A_889, %select_n3A_618 : i32
      %add3A_891 = vector.broadcast %add3A_890 : i32 to vector<16xi32>
      %add3A_892 = arith.addi %mul3A_679, %add3A_891 : vector<16xi32>
      %swap3A_893 = arith.constant 0 : i32
      %swap3A_894 = arith.constant 1 : i32
      %swap3A_895 = arith.index_cast %swap3A_893 : i32 to index
      %swap3A_896 = arith.index_cast %swap3A_894 : i32 to index
      %swap3A_897 = arith.constant 64 : index
      %swap3A_898 = tpu.vector_load %arg9[%swap3A_895, %swap3A_896, %swap3A_897] {strides = array<i32>} : memref<2x2x128xi32, #tpu.memory_space<vmem>>, vector<1x1x16xi32>,
      %swap3A_899 = vector.shape_cast %swap3A_898 : vector<1x1x16xi32> to vector<16xi32>
      %swap3A_900 = vector.shape_cast %add3A_892 : vector<16xi32> to vector<1x1x16xi32>
      tpu.vector_store %arg9[%swap3A_895, %swap3A_896, %swap3A_897], %swap3A_900 {strides = array<i32>} : memref<2x2x128xi32, #tpu.memory_space<vmem>>, vector<1x1x16xi32>,
      %add3A_901 = arith.constant 128 : i32
      %add3A_902 = arith.addi %mul3A_636, %add3A_901 : i32
      %add3A_903 = arith.constant 80 : i32
      %add3A_904 = arith.addi %add3A_902, %add3A_903 : i32
      %mul3A_905 = arith.constant 200 : i32
      %mul3A_906 = arith.muli %add3A_904, %mul3A_905 : i32
      %add3A_907 = arith.addi %mul3A_906, %select_n3A_618 : i32
      %add3A_908 = vector.broadcast %add3A_907 : i32 to vector<16xi32>
      %add3A_909 = arith.addi %mul3A_679, %add3A_908 : vector<16xi32>
      %swap3A_910 = arith.constant 0 : i32
      %swap3A_911 = arith.constant 1 : i32
      %swap3A_912 = arith.index_cast %swap3A_910 : i32 to index
      %swap3A_913 = arith.index_cast %swap3A_911 : i32 to index
      %swap3A_914 = arith.constant 80 : index
      %swap3A_915 = tpu.vector_load %arg9[%swap3A_912, %swap3A_913, %swap3A_914] {strides = array<i32>} : memref<2x2x128xi32, #tpu.memory_space<vmem>>, vector<1x1x16xi32>,
      %swap3A_916 = vector.shape_cast %swap3A_915 : vector<1x1x16xi32> to vector<16xi32>
      %swap3A_917 = vector.shape_cast %add3A_909 : vector<16xi32> to vector<1x1x16xi32>
      tpu.vector_store %arg9[%swap3A_912, %swap3A_913, %swap3A_914], %swap3A_917 {strides = array<i32>} : memref<2x2x128xi32, #tpu.memory_space<vmem>>, vector<1x1x16xi32>,
      %add3A_918 = arith.constant 128 : i32
      %add3A_919 = arith.addi %mul3A_636, %add3A_918 : i32
      %add3A_920 = arith.constant 96 : i32
      %add3A_921 = arith.addi %add3A_919, %add3A_920 : i32
      %mul3A_922 = arith.constant 200 : i32
      %mul3A_923 = arith.muli %add3A_921, %mul3A_922 : i32
      %add3A_924 = arith.addi %mul3A_923, %select_n3A_618 : i32
      %add3A_925 = vector.broadcast %add3A_924 : i32 to vector<16xi32>
      %add3A_926 = arith.addi %mul3A_679, %add3A_925 : vector<16xi32>
      %swap3A_927 = arith.constant 0 : i32
      %swap3A_928 = arith.constant 1 : i32
      %swap3A_929 = arith.index_cast %swap3A_927 : i32 to index
      %swap3A_930 = arith.index_cast %swap3A_928 : i32 to index
      %swap3A_931 = arith.constant 96 : index
      %swap3A_932 = tpu.vector_load %arg9[%swap3A_929, %swap3A_930, %swap3A_931] {strides = array<i32>} : memref<2x2x128xi32, #tpu.memory_space<vmem>>, vector<1x1x16xi32>,
      %swap3A_933 = vector.shape_cast %swap3A_932 : vector<1x1x16xi32> to vector<16xi32>
      %swap3A_934 = vector.shape_cast %add3A_926 : vector<16xi32> to vector<1x1x16xi32>
      tpu.vector_store %arg9[%swap3A_929, %swap3A_930, %swap3A_931], %swap3A_934 {strides = array<i32>} : memref<2x2x128xi32, #tpu.memory_space<vmem>>, vector<1x1x16xi32>,
      %add3A_935 = arith.constant 128 : i32
      %add3A_936 = arith.addi %mul3A_636, %add3A_935 : i32
      %add3A_937 = arith.constant 112 : i32
      %add3A_938 = arith.addi %add3A_936, %add3A_937 : i32
      %mul3A_939 = arith.constant 200 : i32
      %mul3A_940 = arith.muli %add3A_938, %mul3A_939 : i32
      %add3A_941 = arith.addi %mul3A_940, %select_n3A_618 : i32
      %add3A_942 = vector.broadcast %add3A_941 : i32 to vector<16xi32>
      %add3A_943 = arith.addi %mul3A_679, %add3A_942 : vector<16xi32>
      %swap3A_944 = arith.constant 0 : i32
      %swap3A_945 = arith.constant 1 : i32
      %swap3A_946 = arith.index_cast %swap3A_944 : i32 to index
      %swap3A_947 = arith.index_cast %swap3A_945 : i32 to index
      %swap3A_948 = arith.constant 112 : index
      %swap3A_949 = tpu.vector_load %arg9[%swap3A_946, %swap3A_947, %swap3A_948] {strides = array<i32>} : memref<2x2x128xi32, #tpu.memory_space<vmem>>, vector<1x1x16xi32>,
      %swap3A_950 = vector.shape_cast %swap3A_949 : vector<1x1x16xi32> to vector<16xi32>
      %swap3A_951 = vector.shape_cast %add3A_943 : vector<16xi32> to vector<1x1x16xi32>
      tpu.vector_store %arg9[%swap3A_946, %swap3A_947, %swap3A_948], %swap3A_951 {strides = array<i32>} : memref<2x2x128xi32, #tpu.memory_space<vmem>>, vector<1x1x16xi32>,
      %dma_start3A_952 = arith.constant 0 : i32
      %dma_start3A_953 = arith.constant 0 : i32
      %dma_start3A_954 = arith.constant 0 : i32
      %dma_start3A_955 = arith.constant 0 : i32
      %dma_start3A_956 = arith.constant 0 : i32
      %dma_start3A_957 = tpu.memref_slice %arg8[%dma_start3A_952, %dma_start3A_955, %dma_start3A_956] : memref<2x256x128xf32, #tpu.memory_space<vmem>> -> memref<1x128x128xf32, #tpu.memory_space<vmem>>
      %dma_start3A_958 = tpu.memref_squeeze %dma_start3A_957 : memref<1x128x128xf32, #tpu.memory_space<vmem>> -> memref<128x128xf32, #tpu.memory_space<vmem>>
      %dma_start3A_959 = arith.constant 0 : i32
      %dma_start3A_960 = tpu.memref_slice %arg9[%dma_start3A_953, %dma_start3A_954, %dma_start3A_959] : memref<2x2x128xi32, #tpu.memory_space<vmem>> -> memref<1x1x128xi32, #tpu.memory_space<vmem>>
      %dma_start3A_961 = tpu.memref_squeeze %dma_start3A_960 : memref<1x1x128xi32, #tpu.memory_space<vmem>> -> memref<128xi32, #tpu.memory_space<vmem>>
      %dma_start3A_962 = arith.constant 0 : i32
      %dma_start3A_963 = arith.constant 0 : i32
      %dma_start3A_964 = tpu.memref_slice %arg5[%dma_start3A_962, %dma_start3A_963] : memref<204800x128xf32, #tpu.memory_space<hbm>> -> memref<204800x128xf32, #tpu.memory_space<hbm>>
      tpu.enqueue_indirect_dma source(%dma_start3A_958 : memref<128x128xf32, #tpu.memory_space<vmem>>) target(%dma_start3A_964 : memref<204800x128xf32, #tpu.memory_space<hbm>>) offsets(%dma_start3A_961 : memref<128xi32, #tpu.memory_space<vmem>>) semaphore(%arg13 : memref<!tpu.dma_semaphore, #tpu.memory_space<semaphore_mem>>)
      %dma_start3A_965 = arith.constant 0 : i32
      %dma_start3A_966 = arith.constant 0 : i32
      %dma_start3A_967 = arith.constant 1 : i32
      %dma_start3A_968 = arith.constant 128 : i32
      %dma_start3A_969 = arith.constant 0 : i32
      %dma_start3A_970 = tpu.memref_slice %arg8[%dma_start3A_965, %dma_start3A_968, %dma_start3A_969] : memref<2x256x128xf32, #tpu.memory_space<vmem>> -> memref<1x128x128xf32, #tpu.memory_space<vmem>>
      %dma_start3A_971 = tpu.memref_squeeze %dma_start3A_970 : memref<1x128x128xf32, #tpu.memory_space<vmem>> -> memref<128x128xf32, #tpu.memory_space<vmem>>
      %dma_start3A_972 = arith.constant 0 : i32
      %dma_start3A_973 = tpu.memref_slice %arg9[%dma_start3A_966, %dma_start3A_967, %dma_start3A_972] : memref<2x2x128xi32, #tpu.memory_space<vmem>> -> memref<1x1x128xi32, #tpu.memory_space<vmem>>
      %dma_start3A_974 = tpu.memref_squeeze %dma_start3A_973 : memref<1x1x128xi32, #tpu.memory_space<vmem>> -> memref<128xi32, #tpu.memory_space<vmem>>
      %dma_start3A_975 = arith.constant 0 : i32
      %dma_start3A_976 = arith.constant 0 : i32
      %dma_start3A_977 = tpu.memref_slice %arg5[%dma_start3A_975, %dma_start3A_976] : memref<204800x128xf32, #tpu.memory_space<hbm>> -> memref<204800x128xf32, #tpu.memory_space<hbm>>
      tpu.enqueue_indirect_dma source(%dma_start3A_971 : memref<128x128xf32, #tpu.memory_space<vmem>>) target(%dma_start3A_977 : memref<204800x128xf32, #tpu.memory_space<hbm>>) offsets(%dma_start3A_974 : memref<128xi32, #tpu.memory_space<vmem>>) semaphore(%arg13 : memref<!tpu.dma_semaphore, #tpu.memory_space<semaphore_mem>>)
      %dma_wait3A_978 = arith.constant 0 : i32
      %dma_wait3A_979 = arith.constant 0 : i32
      %dma_wait3A_980 = arith.constant 0 : i32
      %dma_wait3A_981 = arith.constant 0 : i32
      %dma_wait3A_982 = arith.constant 0 : i32
      %dma_wait3A_983 = tpu.memref_slice %arg8[%dma_wait3A_978, %dma_wait3A_981, %dma_wait3A_982] : memref<2x256x128xf32, #tpu.memory_space<vmem>> -> memref<1x128x128xf32, #tpu.memory_space<vmem>>
      %dma_wait3A_984 = tpu.memref_squeeze %dma_wait3A_983 : memref<1x128x128xf32, #tpu.memory_space<vmem>> -> memref<128x128xf32, #tpu.memory_space<vmem>>
      %dma_wait3A_985 = arith.constant 0 : i32
      %dma_wait3A_986 = tpu.memref_slice %arg9[%dma_wait3A_979, %dma_wait3A_980, %dma_wait3A_985] : memref<2x2x128xi32, #tpu.memory_space<vmem>> -> memref<1x1x128xi32, #tpu.memory_space<vmem>>
      %dma_wait3A_987 = tpu.memref_squeeze %dma_wait3A_986 : memref<1x1x128xi32, #tpu.memory_space<vmem>> -> memref<128xi32, #tpu.memory_space<vmem>>
      %dma_wait3A_988 = arith.constant 0 : i32
      %dma_wait3A_989 = arith.constant 0 : i32
      %dma_wait3A_990 = tpu.memref_slice %arg5[%dma_wait3A_988, %dma_wait3A_989] : memref<204800x128xf32, #tpu.memory_space<hbm>> -> memref<204800x128xf32, #tpu.memory_space<hbm>>
      tpu.wait_indirect_dma semaphore(%arg13 : memref<!tpu.dma_semaphore, #tpu.memory_space<semaphore_mem>>) src(%dma_wait3A_984 : memref<128x128xf32, #tpu.memory_space<vmem>>) dst(%dma_wait3A_990 : memref<204800x128xf32, #tpu.memory_space<hbm>>)
      %dma_wait3A_991 = arith.constant 0 : i32
      %dma_wait3A_992 = arith.constant 0 : i32
      %dma_wait3A_993 = arith.constant 1 : i32
      %dma_wait3A_994 = arith.constant 128 : i32
      %dma_wait3A_995 = arith.constant 0 : i32
      %dma_wait3A_996 = tpu.memref_slice %arg8[%dma_wait3A_991, %dma_wait3A_994, %dma_wait3A_995] : memref<2x256x128xf32, #tpu.memory_space<vmem>> -> memref<1x128x128xf32, #tpu.memory_space<vmem>>
      %dma_wait3A_997 = tpu.memref_squeeze %dma_wait3A_996 : memref<1x128x128xf32, #tpu.memory_space<vmem>> -> memref<128x128xf32, #tpu.memory_space<vmem>>
      %dma_wait3A_998 = arith.constant 0 : i32
      %dma_wait3A_999 = tpu.memref_slice %arg9[%dma_wait3A_992, %dma_wait3A_993, %dma_wait3A_998] : memref<2x2x128xi32, #tpu.memory_space<vmem>> -> memref<1x1x128xi32, #tpu.memory_space<vmem>>
      %dma_wait3A_1000 = tpu.memref_squeeze %dma_wait3A_999 : memref<1x1x128xi32, #tpu.memory_space<vmem>> -> memref<128xi32, #tpu.memory_space<vmem>>
      %dma_wait3A_1001 = arith.constant 0 : i32
      %dma_wait3A_1002 = arith.constant 0 : i32
      %dma_wait3A_1003 = tpu.memref_slice %arg5[%dma_wait3A_1001, %dma_wait3A_1002] : memref<204800x128xf32, #tpu.memory_space<hbm>> -> memref<204800x128xf32, #tpu.memory_space<hbm>>
      tpu.wait_indirect_dma semaphore(%arg13 : memref<!tpu.dma_semaphore, #tpu.memory_space<semaphore_mem>>) src(%dma_wait3A_997 : memref<128x128xf32, #tpu.memory_space<vmem>>) dst(%dma_wait3A_1003 : memref<204800x128xf32, #tpu.memory_space<hbm>>)
      %add3A_1004 = arith.constant 2 : i32
      %add3A_1005 = arith.addi %mul3A_537, %add3A_1004 : i32
      %mul3A_1006 = arith.constant 256 : i32
      %mul3A_1007 = arith.muli %add3A_1005, %mul3A_1006 : i32
      %add3A_1008 = arith.constant 0 : i32
      %add3A_1009 = arith.addi %mul3A_1007, %add3A_1008 : i32
      %dma_start3A_1010 = arith.constant 0 : i32
      %dma_start3A_1011 = arith.constant 0 : i32
      %dma_start3A_1012 = arith.constant 0 : i32
      %dma_start3A_1013 = tpu.memref_slice %arg8[%dma_start3A_1010, %dma_start3A_1011, %dma_start3A_1012] : memref<2x256x128xf32, #tpu.memory_space<vmem>> -> memref<1x128x128xf32, #tpu.memory_space<vmem>>
      %dma_start3A_1014 = tpu.memref_squeeze %dma_start3A_1013 : memref<1x128x128xf32, #tpu.memory_space<vmem>> -> memref<128x128xf32, #tpu.memory_space<vmem>>
      %dma_start3A_1015 = tpu.memref_slice %arg6[%add3A_1009] : memref<6400xi32, #tpu.memory_space<vmem>> -> memref<128xi32, #tpu.memory_space<vmem>>
      %dma_start3A_1016 = arith.constant 0 : i32
      %dma_start3A_1017 = arith.constant 0 : i32
      %dma_start3A_1018 = tpu.memref_slice %arg3[%dma_start3A_1016, %dma_start3A_1017] : memref<100000x128xf32, #tpu.memory_space<hbm>> -> memref<100000x128xf32, #tpu.memory_space<hbm>>
      tpu.enqueue_indirect_dma source(%dma_start3A_1018 : memref<100000x128xf32, #tpu.memory_space<hbm>>) target(%dma_start3A_1014 : memref<128x128xf32, #tpu.memory_space<vmem>>) offsets(%dma_start3A_1015 : memref<128xi32, #tpu.memory_space<vmem>>) semaphore(%arg11 : memref<!tpu.dma_semaphore, #tpu.memory_space<semaphore_mem>>)
      %mul3A_1019 = arith.constant 256 : i32
      %mul3A_1020 = arith.muli %add3A_1005, %mul3A_1019 : i32
      %add3A_1021 = arith.constant 128 : i32
      %add3A_1022 = arith.addi %mul3A_1020, %add3A_1021 : i32
      %dma_start3A_1023 = arith.constant 0 : i32
      %dma_start3A_1024 = arith.constant 128 : i32
      %dma_start3A_1025 = arith.constant 0 : i32
      %dma_start3A_1026 = tpu.memref_slice %arg8[%dma_start3A_1023, %dma_start3A_1024, %dma_start3A_1025] : memref<2x256x128xf32, #tpu.memory_space<vmem>> -> memref<1x128x128xf32, #tpu.memory_space<vmem>>
      %dma_start3A_1027 = tpu.memref_squeeze %dma_start3A_1026 : memref<1x128x128xf32, #tpu.memory_space<vmem>> -> memref<128x128xf32, #tpu.memory_space<vmem>>
      %dma_start3A_1028 = tpu.memref_slice %arg6[%add3A_1022] : memref<6400xi32, #tpu.memory_space<vmem>> -> memref<128xi32, #tpu.memory_space<vmem>>
      %dma_start3A_1029 = arith.constant 0 : i32
      %dma_start3A_1030 = arith.constant 0 : i32
      %dma_start3A_1031 = tpu.memref_slice %arg3[%dma_start3A_1029, %dma_start3A_1030] : memref<100000x128xf32, #tpu.memory_space<hbm>> -> memref<100000x128xf32, #tpu.memory_space<hbm>>
      tpu.enqueue_indirect_dma source(%dma_start3A_1031 : memref<100000x128xf32, #tpu.memory_space<hbm>>) target(%dma_start3A_1027 : memref<128x128xf32, #tpu.memory_space<vmem>>) offsets(%dma_start3A_1028 : memref<128xi32, #tpu.memory_space<vmem>>) semaphore(%arg11 : memref<!tpu.dma_semaphore, #tpu.memory_space<semaphore_mem>>)
      %add3A_1032 = arith.constant 1 : i32
      %add3A_1033 = arith.addi %mul3A_537, %add3A_1032 : i32
      %mul3A_1034 = arith.constant 256 : i32
      %mul3A_1035 = arith.muli %add3A_1033, %mul3A_1034 : i32
      %add3A_1036 = arith.constant 0 : i32
      %add3A_1037 = arith.addi %mul3A_1035, %add3A_1036 : i32
      %mul3A_1038 = arith.constant 256 : i32
      %mul3A_1039 = arith.muli %add3A_1033, %mul3A_1038 : i32
      %add3A_1040 = arith.constant 128 : i32
      %add3A_1041 = arith.addi %mul3A_1039, %add3A_1040 : i32
      %dma_wait3A_1042 = arith.constant 1 : i32
      %dma_wait3A_1043 = arith.constant 0 : i32
      %dma_wait3A_1044 = arith.constant 0 : i32
      %dma_wait3A_1045 = tpu.memref_slice %arg8[%dma_wait3A_1042, %dma_wait3A_1043, %dma_wait3A_1044] : memref<2x256x128xf32, #tpu.memory_space<vmem>> -> memref<1x128x128xf32, #tpu.memory_space<vmem>>
      %dma_wait3A_1046 = tpu.memref_squeeze %dma_wait3A_1045 : memref<1x128x128xf32, #tpu.memory_space<vmem>> -> memref<128x128xf32, #tpu.memory_space<vmem>>
      %dma_wait3A_1047 = tpu.memref_slice %arg6[%add3A_1037] : memref<6400xi32, #tpu.memory_space<vmem>> -> memref<128xi32, #tpu.memory_space<vmem>>
      %dma_wait3A_1048 = arith.constant 0 : i32
      %dma_wait3A_1049 = arith.constant 0 : i32
      %dma_wait3A_1050 = tpu.memref_slice %arg3[%dma_wait3A_1048, %dma_wait3A_1049] : memref<100000x128xf32, #tpu.memory_space<hbm>> -> memref<100000x128xf32, #tpu.memory_space<hbm>>
      tpu.wait_indirect_dma semaphore(%arg12 : memref<!tpu.dma_semaphore, #tpu.memory_space<semaphore_mem>>) src(%dma_wait3A_1050 : memref<100000x128xf32, #tpu.memory_space<hbm>>) dst(%dma_wait3A_1046 : memref<128x128xf32, #tpu.memory_space<vmem>>)
      %dma_wait3A_1051 = arith.constant 1 : i32
      %dma_wait3A_1052 = arith.constant 128 : i32
      %dma_wait3A_1053 = arith.constant 0 : i32
      %dma_wait3A_1054 = tpu.memref_slice %arg8[%dma_wait3A_1051, %dma_wait3A_1052, %dma_wait3A_1053] : memref<2x256x128xf32, #tpu.memory_space<vmem>> -> memref<1x128x128xf32, #tpu.memory_space<vmem>>
      %dma_wait3A_1055 = tpu.memref_squeeze %dma_wait3A_1054 : memref<1x128x128xf32, #tpu.memory_space<vmem>> -> memref<128x128xf32, #tpu.memory_space<vmem>>
      %dma_wait3A_1056 = tpu.memref_slice %arg6[%add3A_1041] : memref<6400xi32, #tpu.memory_space<vmem>> -> memref<128xi32, #tpu.memory_space<vmem>>
      %dma_wait3A_1057 = arith.constant 0 : i32
      %dma_wait3A_1058 = arith.constant 0 : i32
      %dma_wait3A_1059 = tpu.memref_slice %arg3[%dma_wait3A_1057, %dma_wait3A_1058] : memref<100000x128xf32, #tpu.memory_space<hbm>> -> memref<100000x128xf32, #tpu.memory_space<hbm>>
      tpu.wait_indirect_dma semaphore(%arg12 : memref<!tpu.dma_semaphore, #tpu.memory_space<semaphore_mem>>) src(%dma_wait3A_1059 : memref<100000x128xf32, #tpu.memory_space<hbm>>) dst(%dma_wait3A_1055 : memref<128x128xf32, #tpu.memory_space<vmem>>)
      %add3A_1060 = arith.addi %mul3A_2, %add3A_1033 : i32
      %jit3A_1061 = arith.constant 4 : i32
      %div3A_1062 = arith.divsi %add3A_1060, %jit3A_1061 : i32
      %sign3A_1063 = arith.constant 0 : i32
      %sign3A_1064 = arith.cmpi sgt, %add3A_1060, %sign3A_1063 : i32
      %sign3A_1065 = arith.extui %sign3A_1064 : i1 to i32
      %sign3A_1066 = arith.constant 0 : i32
      %sign3A_1067 = arith.cmpi slt, %add3A_1060, %sign3A_1066 : i32
      %sign3A_1068 = arith.extui %sign3A_1067 : i1 to i32
      %sign3A_1069 = arith.subi %sign3A_1065, %sign3A_1068 : i32
      %sign3A_1070 = arith.constant 0 : i32
      %sign3A_1071 = arith.cmpi sgt, %jit3A_1061, %sign3A_1070 : i32
      %sign3A_1072 = arith.extui %sign3A_1071 : i1 to i32
      %sign3A_1073 = arith.constant 0 : i32
      %sign3A_1074 = arith.cmpi slt, %jit3A_1061, %sign3A_1073 : i32
      %sign3A_1075 = arith.extui %sign3A_1074 : i1 to i32
      %sign3A_1076 = arith.subi %sign3A_1072, %sign3A_1075 : i32
      %ne3A_1077 = arith.cmpi ne, %sign3A_1069, %sign3A_1076 : i32
      %rem3A_1078 = arith.remsi %add3A_1060, %jit3A_1061 : i32
      %ne3A_1079 = arith.constant 0 : i32
      %ne3A_1080 = arith.cmpi ne, %rem3A_1078, %ne3A_1079 : i32
      %and3A_1081 = arith.andi %ne3A_1077, %ne3A_1080 : i1
      %sub3A_1082 = arith.constant 1 : i32
      %sub3A_1083 = arith.subi %div3A_1062, %sub3A_1082 : i32
      %select_n3A_1084 = arith.select %and3A_1081, %sub3A_1083, %div3A_1062 : i32
      %jit3A_1085 = arith.constant 4 : i32
      %eq3A_1086 = arith.constant 0 : i32
      %eq3A_1087 = arith.cmpi eq, %jit3A_1085, %eq3A_1086 : i32
      %jit3A_1088 = arith.constant 1 : i32
      %select_n3A_1089 = arith.select %eq3A_1087, %jit3A_1088, %jit3A_1085 : i32
      %rem3A_1090 = arith.remsi %add3A_1060, %select_n3A_1089 : i32
      %ne3A_1091 = arith.constant 0 : i32
      %ne3A_1092 = arith.cmpi ne, %rem3A_1090, %ne3A_1091 : i32
      %lt3A_1093 = arith.constant 0 : i32
      %lt3A_1094 = arith.cmpi slt, %rem3A_1090, %lt3A_1093 : i32
      %lt3A_1095 = arith.constant 0 : i32
      %lt3A_1096 = arith.cmpi slt, %select_n3A_1089, %lt3A_1095 : i32
      %ne3A_1097 = arith.xori %lt3A_1094, %lt3A_1096 : i1
      %and3A_1098 = arith.andi %ne3A_1097, %ne3A_1092 : i1
      %add3A_1099 = arith.addi %rem3A_1090, %select_n3A_1089 : i32
      %select_n3A_1100 = arith.select %and3A_1098, %add3A_1099, %rem3A_1090 : i32
      %mul3A_1101 = arith.constant 256 : i32
      %mul3A_1102 = arith.muli %select_n3A_1100, %mul3A_1101 : i32
      %sub3A_1103 = arith.subi %select_n3A_1084, %min3A_45 : i32
      %get3A_1104 = arith.index_cast %sub3A_1103 : i32 to index
      %get3A_1105 = arith.constant 0 : index
      %get3A_1106 = tpu.vector_load %arg7[%get3A_1104, %get3A_1105] {strides = array<i32>} : memref<16x128xf32, #tpu.memory_space<vmem>>, vector<1x16xf32>,
      %get3A_1107 = vector.shape_cast %get3A_1106 : vector<1x16xf32> to vector<16xf32>
      %get3A_1108 = arith.index_cast %sub3A_1103 : i32 to index
      %get3A_1109 = arith.constant 16 : index
      %get3A_1110 = tpu.vector_load %arg7[%get3A_1108, %get3A_1109] {strides = array<i32>} : memref<16x128xf32, #tpu.memory_space<vmem>>, vector<1x16xf32>,
      %get3A_1111 = vector.shape_cast %get3A_1110 : vector<1x16xf32> to vector<16xf32>
      %get3A_1112 = arith.index_cast %sub3A_1103 : i32 to index
      %get3A_1113 = arith.constant 32 : index
      %get3A_1114 = tpu.vector_load %arg7[%get3A_1112, %get3A_1113] {strides = array<i32>} : memref<16x128xf32, #tpu.memory_space<vmem>>, vector<1x16xf32>,
      %get3A_1115 = vector.shape_cast %get3A_1114 : vector<1x16xf32> to vector<16xf32>
      %get3A_1116 = arith.index_cast %sub3A_1103 : i32 to index
      %get3A_1117 = arith.constant 48 : index
      %get3A_1118 = tpu.vector_load %arg7[%get3A_1116, %get3A_1117] {strides = array<i32>} : memref<16x128xf32, #tpu.memory_space<vmem>>, vector<1x16xf32>,
      %get3A_1119 = vector.shape_cast %get3A_1118 : vector<1x16xf32> to vector<16xf32>
      %get3A_1120 = arith.index_cast %sub3A_1103 : i32 to index
      %get3A_1121 = arith.constant 64 : index
      %get3A_1122 = tpu.vector_load %arg7[%get3A_1120, %get3A_1121] {strides = array<i32>} : memref<16x128xf32, #tpu.memory_space<vmem>>, vector<1x16xf32>,
      %get3A_1123 = vector.shape_cast %get3A_1122 : vector<1x16xf32> to vector<16xf32>
      %get3A_1124 = arith.index_cast %sub3A_1103 : i32 to index
      %get3A_1125 = arith.constant 80 : index
      %get3A_1126 = tpu.vector_load %arg7[%get3A_1124, %get3A_1125] {strides = array<i32>} : memref<16x128xf32, #tpu.memory_space<vmem>>, vector<1x16xf32>,
      %get3A_1127 = vector.shape_cast %get3A_1126 : vector<1x16xf32> to vector<16xf32>
      %get3A_1128 = arith.index_cast %sub3A_1103 : i32 to index
      %get3A_1129 = arith.constant 96 : index
      %get3A_1130 = tpu.vector_load %arg7[%get3A_1128, %get3A_1129] {strides = array<i32>} : memref<16x128xf32, #tpu.memory_space<vmem>>, vector<1x16xf32>,
      %get3A_1131 = vector.shape_cast %get3A_1130 : vector<1x16xf32> to vector<16xf32>
      %get3A_1132 = arith.index_cast %sub3A_1103 : i32 to index
      %get3A_1133 = arith.constant 112 : index
      %get3A_1134 = tpu.vector_load %arg7[%get3A_1132, %get3A_1133] {strides = array<i32>} : memref<16x128xf32, #tpu.memory_space<vmem>>, vector<1x16xf32>,
      %get3A_1135 = vector.shape_cast %get3A_1134 : vector<1x16xf32> to vector<16xf32>
      %scan3A_1136 = arith.constant 0 : i32
      %scan3A_1137 = arith.constant 0 : i32
      %scan3A_1138 = arith.constant 256 : i32
      %scan3A_1139 = arith.addi %scan3A_1137, %scan3A_1138 : i32
      %scan3A_1140 = arith.constant 1 : i32
      scf.for %scan3A_1444 = %scan3A_1137 to %scan3A_1139 step %scan3A_1140  : i32 {
        %get3A_1445 = arith.constant 1 : i32
        %get3A_1446 = arith.index_cast %get3A_1445 : i32 to index
        %get3A_1447 = arith.index_cast %scan3A_1444 : i32 to index
        %get3A_1448 = arith.constant 0 : index
        %get3A_1449 = tpu.vector_load %arg8[%get3A_1446, %get3A_1447, %get3A_1448] {strides = array<i32>} : memref<2x256x128xf32, #tpu.memory_space<vmem>>, vector<1x1x16xf32>,
        %get3A_1450 = vector.shape_cast %get3A_1449 : vector<1x1x16xf32> to vector<16xf32>
        %add3A_1451 = arith.addf %get3A_1450, %get3A_1107 : vector<16xf32>
        %swap3A_1452 = arith.constant 1 : i32
        %swap3A_1453 = arith.index_cast %swap3A_1452 : i32 to index
        %swap3A_1454 = arith.index_cast %scan3A_1444 : i32 to index
        %swap3A_1455 = arith.constant 0 : index
        %swap3A_1456 = tpu.vector_load %arg8[%swap3A_1453, %swap3A_1454, %swap3A_1455] {strides = array<i32>} : memref<2x256x128xf32, #tpu.memory_space<vmem>>, vector<1x1x16xf32>,
        %swap3A_1457 = vector.shape_cast %swap3A_1456 : vector<1x1x16xf32> to vector<16xf32>
        %swap3A_1458 = vector.shape_cast %add3A_1451 : vector<16xf32> to vector<1x1x16xf32>
        tpu.vector_store %arg8[%swap3A_1453, %swap3A_1454, %swap3A_1455], %swap3A_1458 {strides = array<i32>} : memref<2x256x128xf32, #tpu.memory_space<vmem>>, vector<1x1x16xf32>,
        %get3A_1459 = arith.constant 1 : i32
        %get3A_1460 = arith.index_cast %get3A_1459 : i32 to index
        %get3A_1461 = arith.index_cast %scan3A_1444 : i32 to index
        %get3A_1462 = arith.constant 16 : index
        %get3A_1463 = tpu.vector_load %arg8[%get3A_1460, %get3A_1461, %get3A_1462] {strides = array<i32>} : memref<2x256x128xf32, #tpu.memory_space<vmem>>, vector<1x1x16xf32>,
        %get3A_1464 = vector.shape_cast %get3A_1463 : vector<1x1x16xf32> to vector<16xf32>
        %add3A_1465 = arith.addf %get3A_1464, %get3A_1111 : vector<16xf32>
        %swap3A_1466 = arith.constant 1 : i32
        %swap3A_1467 = arith.index_cast %swap3A_1466 : i32 to index
        %swap3A_1468 = arith.index_cast %scan3A_1444 : i32 to index
        %swap3A_1469 = arith.constant 16 : index
        %swap3A_1470 = tpu.vector_load %arg8[%swap3A_1467, %swap3A_1468, %swap3A_1469] {strides = array<i32>} : memref<2x256x128xf32, #tpu.memory_space<vmem>>, vector<1x1x16xf32>,
        %swap3A_1471 = vector.shape_cast %swap3A_1470 : vector<1x1x16xf32> to vector<16xf32>
        %swap3A_1472 = vector.shape_cast %add3A_1465 : vector<16xf32> to vector<1x1x16xf32>
        tpu.vector_store %arg8[%swap3A_1467, %swap3A_1468, %swap3A_1469], %swap3A_1472 {strides = array<i32>} : memref<2x256x128xf32, #tpu.memory_space<vmem>>, vector<1x1x16xf32>,
        %get3A_1473 = arith.constant 1 : i32
        %get3A_1474 = arith.index_cast %get3A_1473 : i32 to index
        %get3A_1475 = arith.index_cast %scan3A_1444 : i32 to index
        %get3A_1476 = arith.constant 32 : index
        %get3A_1477 = tpu.vector_load %arg8[%get3A_1474, %get3A_1475, %get3A_1476] {strides = array<i32>} : memref<2x256x128xf32, #tpu.memory_space<vmem>>, vector<1x1x16xf32>,
        %get3A_1478 = vector.shape_cast %get3A_1477 : vector<1x1x16xf32> to vector<16xf32>
        %add3A_1479 = arith.addf %get3A_1478, %get3A_1115 : vector<16xf32>
        %swap3A_1480 = arith.constant 1 : i32
        %swap3A_1481 = arith.index_cast %swap3A_1480 : i32 to index
        %swap3A_1482 = arith.index_cast %scan3A_1444 : i32 to index
        %swap3A_1483 = arith.constant 32 : index
        %swap3A_1484 = tpu.vector_load %arg8[%swap3A_1481, %swap3A_1482, %swap3A_1483] {strides = array<i32>} : memref<2x256x128xf32, #tpu.memory_space<vmem>>, vector<1x1x16xf32>,
        %swap3A_1485 = vector.shape_cast %swap3A_1484 : vector<1x1x16xf32> to vector<16xf32>
        %swap3A_1486 = vector.shape_cast %add3A_1479 : vector<16xf32> to vector<1x1x16xf32>
        tpu.vector_store %arg8[%swap3A_1481, %swap3A_1482, %swap3A_1483], %swap3A_1486 {strides = array<i32>} : memref<2x256x128xf32, #tpu.memory_space<vmem>>, vector<1x1x16xf32>,
        %get3A_1487 = arith.constant 1 : i32
        %get3A_1488 = arith.index_cast %get3A_1487 : i32 to index
        %get3A_1489 = arith.index_cast %scan3A_1444 : i32 to index
        %get3A_1490 = arith.constant 48 : index
        %get3A_1491 = tpu.vector_load %arg8[%get3A_1488, %get3A_1489, %get3A_1490] {strides = array<i32>} : memref<2x256x128xf32, #tpu.memory_space<vmem>>, vector<1x1x16xf32>,
        %get3A_1492 = vector.shape_cast %get3A_1491 : vector<1x1x16xf32> to vector<16xf32>
        %add3A_1493 = arith.addf %get3A_1492, %get3A_1119 : vector<16xf32>
        %swap3A_1494 = arith.constant 1 : i32
        %swap3A_1495 = arith.index_cast %swap3A_1494 : i32 to index
        %swap3A_1496 = arith.index_cast %scan3A_1444 : i32 to index
        %swap3A_1497 = arith.constant 48 : index
        %swap3A_1498 = tpu.vector_load %arg8[%swap3A_1495, %swap3A_1496, %swap3A_1497] {strides = array<i32>} : memref<2x256x128xf32, #tpu.memory_space<vmem>>, vector<1x1x16xf32>,
        %swap3A_1499 = vector.shape_cast %swap3A_1498 : vector<1x1x16xf32> to vector<16xf32>
        %swap3A_1500 = vector.shape_cast %add3A_1493 : vector<16xf32> to vector<1x1x16xf32>
        tpu.vector_store %arg8[%swap3A_1495, %swap3A_1496, %swap3A_1497], %swap3A_1500 {strides = array<i32>} : memref<2x256x128xf32, #tpu.memory_space<vmem>>, vector<1x1x16xf32>,
        %get3A_1501 = arith.constant 1 : i32
        %get3A_1502 = arith.index_cast %get3A_1501 : i32 to index
        %get3A_1503 = arith.index_cast %scan3A_1444 : i32 to index
        %get3A_1504 = arith.constant 64 : index
        %get3A_1505 = tpu.vector_load %arg8[%get3A_1502, %get3A_1503, %get3A_1504] {strides = array<i32>} : memref<2x256x128xf32, #tpu.memory_space<vmem>>, vector<1x1x16xf32>,
        %get3A_1506 = vector.shape_cast %get3A_1505 : vector<1x1x16xf32> to vector<16xf32>
        %add3A_1507 = arith.addf %get3A_1506, %get3A_1123 : vector<16xf32>
        %swap3A_1508 = arith.constant 1 : i32
        %swap3A_1509 = arith.index_cast %swap3A_1508 : i32 to index
        %swap3A_1510 = arith.index_cast %scan3A_1444 : i32 to index
        %swap3A_1511 = arith.constant 64 : index
        %swap3A_1512 = tpu.vector_load %arg8[%swap3A_1509, %swap3A_1510, %swap3A_1511] {strides = array<i32>} : memref<2x256x128xf32, #tpu.memory_space<vmem>>, vector<1x1x16xf32>,
        %swap3A_1513 = vector.shape_cast %swap3A_1512 : vector<1x1x16xf32> to vector<16xf32>
        %swap3A_1514 = vector.shape_cast %add3A_1507 : vector<16xf32> to vector<1x1x16xf32>
        tpu.vector_store %arg8[%swap3A_1509, %swap3A_1510, %swap3A_1511], %swap3A_1514 {strides = array<i32>} : memref<2x256x128xf32, #tpu.memory_space<vmem>>, vector<1x1x16xf32>,
        %get3A_1515 = arith.constant 1 : i32
        %get3A_1516 = arith.index_cast %get3A_1515 : i32 to index
        %get3A_1517 = arith.index_cast %scan3A_1444 : i32 to index
        %get3A_1518 = arith.constant 80 : index
        %get3A_1519 = tpu.vector_load %arg8[%get3A_1516, %get3A_1517, %get3A_1518] {strides = array<i32>} : memref<2x256x128xf32, #tpu.memory_space<vmem>>, vector<1x1x16xf32>,
        %get3A_1520 = vector.shape_cast %get3A_1519 : vector<1x1x16xf32> to vector<16xf32>
        %add3A_1521 = arith.addf %get3A_1520, %get3A_1127 : vector<16xf32>
        %swap3A_1522 = arith.constant 1 : i32
        %swap3A_1523 = arith.index_cast %swap3A_1522 : i32 to index
        %swap3A_1524 = arith.index_cast %scan3A_1444 : i32 to index
        %swap3A_1525 = arith.constant 80 : index
        %swap3A_1526 = tpu.vector_load %arg8[%swap3A_1523, %swap3A_1524, %swap3A_1525] {strides = array<i32>} : memref<2x256x128xf32, #tpu.memory_space<vmem>>, vector<1x1x16xf32>,
        %swap3A_1527 = vector.shape_cast %swap3A_1526 : vector<1x1x16xf32> to vector<16xf32>
        %swap3A_1528 = vector.shape_cast %add3A_1521 : vector<16xf32> to vector<1x1x16xf32>
        tpu.vector_store %arg8[%swap3A_1523, %swap3A_1524, %swap3A_1525], %swap3A_1528 {strides = array<i32>} : memref<2x256x128xf32, #tpu.memory_space<vmem>>, vector<1x1x16xf32>,
        %get3A_1529 = arith.constant 1 : i32
        %get3A_1530 = arith.index_cast %get3A_1529 : i32 to index
        %get3A_1531 = arith.index_cast %scan3A_1444 : i32 to index
        %get3A_1532 = arith.constant 96 : index
        %get3A_1533 = tpu.vector_load %arg8[%get3A_1530, %get3A_1531, %get3A_1532] {strides = array<i32>} : memref<2x256x128xf32, #tpu.memory_space<vmem>>, vector<1x1x16xf32>,
        %get3A_1534 = vector.shape_cast %get3A_1533 : vector<1x1x16xf32> to vector<16xf32>
        %add3A_1535 = arith.addf %get3A_1534, %get3A_1131 : vector<16xf32>
        %swap3A_1536 = arith.constant 1 : i32
        %swap3A_1537 = arith.index_cast %swap3A_1536 : i32 to index
        %swap3A_1538 = arith.index_cast %scan3A_1444 : i32 to index
        %swap3A_1539 = arith.constant 96 : index
        %swap3A_1540 = tpu.vector_load %arg8[%swap3A_1537, %swap3A_1538, %swap3A_1539] {strides = array<i32>} : memref<2x256x128xf32, #tpu.memory_space<vmem>>, vector<1x1x16xf32>,
        %swap3A_1541 = vector.shape_cast %swap3A_1540 : vector<1x1x16xf32> to vector<16xf32>
        %swap3A_1542 = vector.shape_cast %add3A_1535 : vector<16xf32> to vector<1x1x16xf32>
        tpu.vector_store %arg8[%swap3A_1537, %swap3A_1538, %swap3A_1539], %swap3A_1542 {strides = array<i32>} : memref<2x256x128xf32, #tpu.memory_space<vmem>>, vector<1x1x16xf32>,
        %get3A_1543 = arith.constant 1 : i32
        %get3A_1544 = arith.index_cast %get3A_1543 : i32 to index
        %get3A_1545 = arith.index_cast %scan3A_1444 : i32 to index
        %get3A_1546 = arith.constant 112 : index
        %get3A_1547 = tpu.vector_load %arg8[%get3A_1544, %get3A_1545, %get3A_1546] {strides = array<i32>} : memref<2x256x128xf32, #tpu.memory_space<vmem>>, vector<1x1x16xf32>,
        %get3A_1548 = vector.shape_cast %get3A_1547 : vector<1x1x16xf32> to vector<16xf32>
        %add3A_1549 = arith.addf %get3A_1548, %get3A_1135 : vector<16xf32>
        %swap3A_1550 = arith.constant 1 : i32
        %swap3A_1551 = arith.index_cast %swap3A_1550 : i32 to index
        %swap3A_1552 = arith.index_cast %scan3A_1444 : i32 to index
        %swap3A_1553 = arith.constant 112 : index
        %swap3A_1554 = tpu.vector_load %arg8[%swap3A_1551, %swap3A_1552, %swap3A_1553] {strides = array<i32>} : memref<2x256x128xf32, #tpu.memory_space<vmem>>, vector<1x1x16xf32>,
        %swap3A_1555 = vector.shape_cast %swap3A_1554 : vector<1x1x16xf32> to vector<16xf32>
        %swap3A_1556 = vector.shape_cast %add3A_1549 : vector<16xf32> to vector<1x1x16xf32>
        tpu.vector_store %arg8[%swap3A_1551, %swap3A_1552, %swap3A_1553], %swap3A_1556 {strides = array<i32>} : memref<2x256x128xf32, #tpu.memory_space<vmem>>, vector<1x1x16xf32>,
      }
      %scan3A_1141 = arith.constant 256 : i32
      %iota3A_1142 = tpu.iota {dimensions = array<i32: 0>} : vector<16xi32>
      %mul3A_1143 = arith.constant 200 : i32
      %mul3A_1144 = vector.broadcast %mul3A_1143 : i32 to vector<16xi32>
      %mul3A_1145 = arith.muli %iota3A_1142, %mul3A_1144 : vector<16xi32>
      %add3A_1146 = arith.constant 0 : i32
      %add3A_1147 = arith.addi %mul3A_1102, %add3A_1146 : i32
      %add3A_1148 = arith.constant 0 : i32
      %add3A_1149 = arith.addi %add3A_1147, %add3A_1148 : i32
      %mul3A_1150 = arith.constant 200 : i32
      %mul3A_1151 = arith.muli %add3A_1149, %mul3A_1150 : i32
      %add3A_1152 = arith.addi %mul3A_1151, %select_n3A_1084 : i32
      %add3A_1153 = vector.broadcast %add3A_1152 : i32 to vector<16xi32>
      %add3A_1154 = arith.addi %mul3A_1145, %add3A_1153 : vector<16xi32>
      %swap3A_1155 = arith.constant 1 : i32
      %swap3A_1156 = arith.constant 0 : i32
      %swap3A_1157 = arith.index_cast %swap3A_1155 : i32 to index
      %swap3A_1158 = arith.index_cast %swap3A_1156 : i32 to index
      %swap3A_1159 = arith.constant 0 : index
      %swap3A_1160 = tpu.vector_load %arg9[%swap3A_1157, %swap3A_1158, %swap3A_1159] {strides = array<i32>} : memref<2x2x128xi32, #tpu.memory_space<vmem>>, vector<1x1x16xi32>,
      %swap3A_1161 = vector.shape_cast %swap3A_1160 : vector<1x1x16xi32> to vector<16xi32>
      %swap3A_1162 = vector.shape_cast %add3A_1154 : vector<16xi32> to vector<1x1x16xi32>
      tpu.vector_store %arg9[%swap3A_1157, %swap3A_1158, %swap3A_1159], %swap3A_1162 {strides = array<i32>} : memref<2x2x128xi32, #tpu.memory_space<vmem>>, vector<1x1x16xi32>,
      %add3A_1163 = arith.constant 0 : i32
      %add3A_1164 = arith.addi %mul3A_1102, %add3A_1163 : i32
      %add3A_1165 = arith.constant 16 : i32
      %add3A_1166 = arith.addi %add3A_1164, %add3A_1165 : i32
      %mul3A_1167 = arith.constant 200 : i32
      %mul3A_1168 = arith.muli %add3A_1166, %mul3A_1167 : i32
      %add3A_1169 = arith.addi %mul3A_1168, %select_n3A_1084 : i32
      %add3A_1170 = vector.broadcast %add3A_1169 : i32 to vector<16xi32>
      %add3A_1171 = arith.addi %mul3A_1145, %add3A_1170 : vector<16xi32>
      %swap3A_1172 = arith.constant 1 : i32
      %swap3A_1173 = arith.constant 0 : i32
      %swap3A_1174 = arith.index_cast %swap3A_1172 : i32 to index
      %swap3A_1175 = arith.index_cast %swap3A_1173 : i32 to index
      %swap3A_1176 = arith.constant 16 : index
      %swap3A_1177 = tpu.vector_load %arg9[%swap3A_1174, %swap3A_1175, %swap3A_1176] {strides = array<i32>} : memref<2x2x128xi32, #tpu.memory_space<vmem>>, vector<1x1x16xi32>,
      %swap3A_1178 = vector.shape_cast %swap3A_1177 : vector<1x1x16xi32> to vector<16xi32>
      %swap3A_1179 = vector.shape_cast %add3A_1171 : vector<16xi32> to vector<1x1x16xi32>
      tpu.vector_store %arg9[%swap3A_1174, %swap3A_1175, %swap3A_1176], %swap3A_1179 {strides = array<i32>} : memref<2x2x128xi32, #tpu.memory_space<vmem>>, vector<1x1x16xi32>,
      %add3A_1180 = arith.constant 0 : i32
      %add3A_1181 = arith.addi %mul3A_1102, %add3A_1180 : i32
      %add3A_1182 = arith.constant 32 : i32
      %add3A_1183 = arith.addi %add3A_1181, %add3A_1182 : i32
      %mul3A_1184 = arith.constant 200 : i32
      %mul3A_1185 = arith.muli %add3A_1183, %mul3A_1184 : i32
      %add3A_1186 = arith.addi %mul3A_1185, %select_n3A_1084 : i32
      %add3A_1187 = vector.broadcast %add3A_1186 : i32 to vector<16xi32>
      %add3A_1188 = arith.addi %mul3A_1145, %add3A_1187 : vector<16xi32>
      %swap3A_1189 = arith.constant 1 : i32
      %swap3A_1190 = arith.constant 0 : i32
      %swap3A_1191 = arith.index_cast %swap3A_1189 : i32 to index
      %swap3A_1192 = arith.index_cast %swap3A_1190 : i32 to index
      %swap3A_1193 = arith.constant 32 : index
      %swap3A_1194 = tpu.vector_load %arg9[%swap3A_1191, %swap3A_1192, %swap3A_1193] {strides = array<i32>} : memref<2x2x128xi32, #tpu.memory_space<vmem>>, vector<1x1x16xi32>,
      %swap3A_1195 = vector.shape_cast %swap3A_1194 : vector<1x1x16xi32> to vector<16xi32>
      %swap3A_1196 = vector.shape_cast %add3A_1188 : vector<16xi32> to vector<1x1x16xi32>
      tpu.vector_store %arg9[%swap3A_1191, %swap3A_1192, %swap3A_1193], %swap3A_1196 {strides = array<i32>} : memref<2x2x128xi32, #tpu.memory_space<vmem>>, vector<1x1x16xi32>,
      %add3A_1197 = arith.constant 0 : i32
      %add3A_1198 = arith.addi %mul3A_1102, %add3A_1197 : i32
      %add3A_1199 = arith.constant 48 : i32
      %add3A_1200 = arith.addi %add3A_1198, %add3A_1199 : i32
      %mul3A_1201 = arith.constant 200 : i32
      %mul3A_1202 = arith.muli %add3A_1200, %mul3A_1201 : i32
      %add3A_1203 = arith.addi %mul3A_1202, %select_n3A_1084 : i32
      %add3A_1204 = vector.broadcast %add3A_1203 : i32 to vector<16xi32>
      %add3A_1205 = arith.addi %mul3A_1145, %add3A_1204 : vector<16xi32>
      %swap3A_1206 = arith.constant 1 : i32
      %swap3A_1207 = arith.constant 0 : i32
      %swap3A_1208 = arith.index_cast %swap3A_1206 : i32 to index
      %swap3A_1209 = arith.index_cast %swap3A_1207 : i32 to index
      %swap3A_1210 = arith.constant 48 : index
      %swap3A_1211 = tpu.vector_load %arg9[%swap3A_1208, %swap3A_1209, %swap3A_1210] {strides = array<i32>} : memref<2x2x128xi32, #tpu.memory_space<vmem>>, vector<1x1x16xi32>,
      %swap3A_1212 = vector.shape_cast %swap3A_1211 : vector<1x1x16xi32> to vector<16xi32>
      %swap3A_1213 = vector.shape_cast %add3A_1205 : vector<16xi32> to vector<1x1x16xi32>
      tpu.vector_store %arg9[%swap3A_1208, %swap3A_1209, %swap3A_1210], %swap3A_1213 {strides = array<i32>} : memref<2x2x128xi32, #tpu.memory_space<vmem>>, vector<1x1x16xi32>,
      %add3A_1214 = arith.constant 0 : i32
      %add3A_1215 = arith.addi %mul3A_1102, %add3A_1214 : i32
      %add3A_1216 = arith.constant 64 : i32
      %add3A_1217 = arith.addi %add3A_1215, %add3A_1216 : i32
      %mul3A_1218 = arith.constant 200 : i32
      %mul3A_1219 = arith.muli %add3A_1217, %mul3A_1218 : i32
      %add3A_1220 = arith.addi %mul3A_1219, %select_n3A_1084 : i32
      %add3A_1221 = vector.broadcast %add3A_1220 : i32 to vector<16xi32>
      %add3A_1222 = arith.addi %mul3A_1145, %add3A_1221 : vector<16xi32>
      %swap3A_1223 = arith.constant 1 : i32
      %swap3A_1224 = arith.constant 0 : i32
      %swap3A_1225 = arith.index_cast %swap3A_1223 : i32 to index
      %swap3A_1226 = arith.index_cast %swap3A_1224 : i32 to index
      %swap3A_1227 = arith.constant 64 : index
      %swap3A_1228 = tpu.vector_load %arg9[%swap3A_1225, %swap3A_1226, %swap3A_1227] {strides = array<i32>} : memref<2x2x128xi32, #tpu.memory_space<vmem>>, vector<1x1x16xi32>,
      %swap3A_1229 = vector.shape_cast %swap3A_1228 : vector<1x1x16xi32> to vector<16xi32>
      %swap3A_1230 = vector.shape_cast %add3A_1222 : vector<16xi32> to vector<1x1x16xi32>
      tpu.vector_store %arg9[%swap3A_1225, %swap3A_1226, %swap3A_1227], %swap3A_1230 {strides = array<i32>} : memref<2x2x128xi32, #tpu.memory_space<vmem>>, vector<1x1x16xi32>,
      %add3A_1231 = arith.constant 0 : i32
      %add3A_1232 = arith.addi %mul3A_1102, %add3A_1231 : i32
      %add3A_1233 = arith.constant 80 : i32
      %add3A_1234 = arith.addi %add3A_1232, %add3A_1233 : i32
      %mul3A_1235 = arith.constant 200 : i32
      %mul3A_1236 = arith.muli %add3A_1234, %mul3A_1235 : i32
      %add3A_1237 = arith.addi %mul3A_1236, %select_n3A_1084 : i32
      %add3A_1238 = vector.broadcast %add3A_1237 : i32 to vector<16xi32>
      %add3A_1239 = arith.addi %mul3A_1145, %add3A_1238 : vector<16xi32>
      %swap3A_1240 = arith.constant 1 : i32
      %swap3A_1241 = arith.constant 0 : i32
      %swap3A_1242 = arith.index_cast %swap3A_1240 : i32 to index
      %swap3A_1243 = arith.index_cast %swap3A_1241 : i32 to index
      %swap3A_1244 = arith.constant 80 : index
      %swap3A_1245 = tpu.vector_load %arg9[%swap3A_1242, %swap3A_1243, %swap3A_1244] {strides = array<i32>} : memref<2x2x128xi32, #tpu.memory_space<vmem>>, vector<1x1x16xi32>,
      %swap3A_1246 = vector.shape_cast %swap3A_1245 : vector<1x1x16xi32> to vector<16xi32>
      %swap3A_1247 = vector.shape_cast %add3A_1239 : vector<16xi32> to vector<1x1x16xi32>
      tpu.vector_store %arg9[%swap3A_1242, %swap3A_1243, %swap3A_1244], %swap3A_1247 {strides = array<i32>} : memref<2x2x128xi32, #tpu.memory_space<vmem>>, vector<1x1x16xi32>,
      %add3A_1248 = arith.constant 0 : i32
      %add3A_1249 = arith.addi %mul3A_1102, %add3A_1248 : i32
      %add3A_1250 = arith.constant 96 : i32
      %add3A_1251 = arith.addi %add3A_1249, %add3A_1250 : i32
      %mul3A_1252 = arith.constant 200 : i32
      %mul3A_1253 = arith.muli %add3A_1251, %mul3A_1252 : i32
      %add3A_1254 = arith.addi %mul3A_1253, %select_n3A_1084 : i32
      %add3A_1255 = vector.broadcast %add3A_1254 : i32 to vector<16xi32>
      %add3A_1256 = arith.addi %mul3A_1145, %add3A_1255 : vector<16xi32>
      %swap3A_1257 = arith.constant 1 : i32
      %swap3A_1258 = arith.constant 0 : i32
      %swap3A_1259 = arith.index_cast %swap3A_1257 : i32 to index
      %swap3A_1260 = arith.index_cast %swap3A_1258 : i32 to index
      %swap3A_1261 = arith.constant 96 : index
      %swap3A_1262 = tpu.vector_load %arg9[%swap3A_1259, %swap3A_1260, %swap3A_1261] {strides = array<i32>} : memref<2x2x128xi32, #tpu.memory_space<vmem>>, vector<1x1x16xi32>,
      %swap3A_1263 = vector.shape_cast %swap3A_1262 : vector<1x1x16xi32> to vector<16xi32>
      %swap3A_1264 = vector.shape_cast %add3A_1256 : vector<16xi32> to vector<1x1x16xi32>
      tpu.vector_store %arg9[%swap3A_1259, %swap3A_1260, %swap3A_1261], %swap3A_1264 {strides = array<i32>} : memref<2x2x128xi32, #tpu.memory_space<vmem>>, vector<1x1x16xi32>,
      %add3A_1265 = arith.constant 0 : i32
      %add3A_1266 = arith.addi %mul3A_1102, %add3A_1265 : i32
      %add3A_1267 = arith.constant 112 : i32
      %add3A_1268 = arith.addi %add3A_1266, %add3A_1267 : i32
      %mul3A_1269 = arith.constant 200 : i32
      %mul3A_1270 = arith.muli %add3A_1268, %mul3A_1269 : i32
      %add3A_1271 = arith.addi %mul3A_1270, %select_n3A_1084 : i32
      %add3A_1272 = vector.broadcast %add3A_1271 : i32 to vector<16xi32>
      %add3A_1273 = arith.addi %mul3A_1145, %add3A_1272 : vector<16xi32>
      %swap3A_1274 = arith.constant 1 : i32
      %swap3A_1275 = arith.constant 0 : i32
      %swap3A_1276 = arith.index_cast %swap3A_1274 : i32 to index
      %swap3A_1277 = arith.index_cast %swap3A_1275 : i32 to index
      %swap3A_1278 = arith.constant 112 : index
      %swap3A_1279 = tpu.vector_load %arg9[%swap3A_1276, %swap3A_1277, %swap3A_1278] {strides = array<i32>} : memref<2x2x128xi32, #tpu.memory_space<vmem>>, vector<1x1x16xi32>,
      %swap3A_1280 = vector.shape_cast %swap3A_1279 : vector<1x1x16xi32> to vector<16xi32>
      %swap3A_1281 = vector.shape_cast %add3A_1273 : vector<16xi32> to vector<1x1x16xi32>
      tpu.vector_store %arg9[%swap3A_1276, %swap3A_1277, %swap3A_1278], %swap3A_1281 {strides = array<i32>} : memref<2x2x128xi32, #tpu.memory_space<vmem>>, vector<1x1x16xi32>,
      %add3A_1282 = arith.constant 128 : i32
      %add3A_1283 = arith.addi %mul3A_1102, %add3A_1282 : i32
      %add3A_1284 = arith.constant 0 : i32
      %add3A_1285 = arith.addi %add3A_1283, %add3A_1284 : i32
      %mul3A_1286 = arith.constant 200 : i32
      %mul3A_1287 = arith.muli %add3A_1285, %mul3A_1286 : i32
      %add3A_1288 = arith.addi %mul3A_1287, %select_n3A_1084 : i32
      %add3A_1289 = vector.broadcast %add3A_1288 : i32 to vector<16xi32>
      %add3A_1290 = arith.addi %mul3A_1145, %add3A_1289 : vector<16xi32>
      %swap3A_1291 = arith.constant 1 : i32
      %swap3A_1292 = arith.constant 1 : i32
      %swap3A_1293 = arith.index_cast %swap3A_1291 : i32 to index
      %swap3A_1294 = arith.index_cast %swap3A_1292 : i32 to index
      %swap3A_1295 = arith.constant 0 : index
      %swap3A_1296 = tpu.vector_load %arg9[%swap3A_1293, %swap3A_1294, %swap3A_1295] {strides = array<i32>} : memref<2x2x128xi32, #tpu.memory_space<vmem>>, vector<1x1x16xi32>,
      %swap3A_1297 = vector.shape_cast %swap3A_1296 : vector<1x1x16xi32> to vector<16xi32>
      %swap3A_1298 = vector.shape_cast %add3A_1290 : vector<16xi32> to vector<1x1x16xi32>
      tpu.vector_store %arg9[%swap3A_1293, %swap3A_1294, %swap3A_1295], %swap3A_1298 {strides = array<i32>} : memref<2x2x128xi32, #tpu.memory_space<vmem>>, vector<1x1x16xi32>,
      %add3A_1299 = arith.constant 128 : i32
      %add3A_1300 = arith.addi %mul3A_1102, %add3A_1299 : i32
      %add3A_1301 = arith.constant 16 : i32
      %add3A_1302 = arith.addi %add3A_1300, %add3A_1301 : i32
      %mul3A_1303 = arith.constant 200 : i32
      %mul3A_1304 = arith.muli %add3A_1302, %mul3A_1303 : i32
      %add3A_1305 = arith.addi %mul3A_1304, %select_n3A_1084 : i32
      %add3A_1306 = vector.broadcast %add3A_1305 : i32 to vector<16xi32>
      %add3A_1307 = arith.addi %mul3A_1145, %add3A_1306 : vector<16xi32>
      %swap3A_1308 = arith.constant 1 : i32
      %swap3A_1309 = arith.constant 1 : i32
      %swap3A_1310 = arith.index_cast %swap3A_1308 : i32 to index
      %swap3A_1311 = arith.index_cast %swap3A_1309 : i32 to index
      %swap3A_1312 = arith.constant 16 : index
      %swap3A_1313 = tpu.vector_load %arg9[%swap3A_1310, %swap3A_1311, %swap3A_1312] {strides = array<i32>} : memref<2x2x128xi32, #tpu.memory_space<vmem>>, vector<1x1x16xi32>,
      %swap3A_1314 = vector.shape_cast %swap3A_1313 : vector<1x1x16xi32> to vector<16xi32>
      %swap3A_1315 = vector.shape_cast %add3A_1307 : vector<16xi32> to vector<1x1x16xi32>
      tpu.vector_store %arg9[%swap3A_1310, %swap3A_1311, %swap3A_1312], %swap3A_1315 {strides = array<i32>} : memref<2x2x128xi32, #tpu.memory_space<vmem>>, vector<1x1x16xi32>,
      %add3A_1316 = arith.constant 128 : i32
      %add3A_1317 = arith.addi %mul3A_1102, %add3A_1316 : i32
      %add3A_1318 = arith.constant 32 : i32
      %add3A_1319 = arith.addi %add3A_1317, %add3A_1318 : i32
      %mul3A_1320 = arith.constant 200 : i32
      %mul3A_1321 = arith.muli %add3A_1319, %mul3A_1320 : i32
      %add3A_1322 = arith.addi %mul3A_1321, %select_n3A_1084 : i32
      %add3A_1323 = vector.broadcast %add3A_1322 : i32 to vector<16xi32>
      %add3A_1324 = arith.addi %mul3A_1145, %add3A_1323 : vector<16xi32>
      %swap3A_1325 = arith.constant 1 : i32
      %swap3A_1326 = arith.constant 1 : i32
      %swap3A_1327 = arith.index_cast %swap3A_1325 : i32 to index
      %swap3A_1328 = arith.index_cast %swap3A_1326 : i32 to index
      %swap3A_1329 = arith.constant 32 : index
      %swap3A_1330 = tpu.vector_load %arg9[%swap3A_1327, %swap3A_1328, %swap3A_1329] {strides = array<i32>} : memref<2x2x128xi32, #tpu.memory_space<vmem>>, vector<1x1x16xi32>,
      %swap3A_1331 = vector.shape_cast %swap3A_1330 : vector<1x1x16xi32> to vector<16xi32>
      %swap3A_1332 = vector.shape_cast %add3A_1324 : vector<16xi32> to vector<1x1x16xi32>
      tpu.vector_store %arg9[%swap3A_1327, %swap3A_1328, %swap3A_1329], %swap3A_1332 {strides = array<i32>} : memref<2x2x128xi32, #tpu.memory_space<vmem>>, vector<1x1x16xi32>,
      %add3A_1333 = arith.constant 128 : i32
      %add3A_1334 = arith.addi %mul3A_1102, %add3A_1333 : i32
      %add3A_1335 = arith.constant 48 : i32
      %add3A_1336 = arith.addi %add3A_1334, %add3A_1335 : i32
      %mul3A_1337 = arith.constant 200 : i32
      %mul3A_1338 = arith.muli %add3A_1336, %mul3A_1337 : i32
      %add3A_1339 = arith.addi %mul3A_1338, %select_n3A_1084 : i32
      %add3A_1340 = vector.broadcast %add3A_1339 : i32 to vector<16xi32>
      %add3A_1341 = arith.addi %mul3A_1145, %add3A_1340 : vector<16xi32>
      %swap3A_1342 = arith.constant 1 : i32
      %swap3A_1343 = arith.constant 1 : i32
      %swap3A_1344 = arith.index_cast %swap3A_1342 : i32 to index
      %swap3A_1345 = arith.index_cast %swap3A_1343 : i32 to index
      %swap3A_1346 = arith.constant 48 : index
      %swap3A_1347 = tpu.vector_load %arg9[%swap3A_1344, %swap3A_1345, %swap3A_1346] {strides = array<i32>} : memref<2x2x128xi32, #tpu.memory_space<vmem>>, vector<1x1x16xi32>,
      %swap3A_1348 = vector.shape_cast %swap3A_1347 : vector<1x1x16xi32> to vector<16xi32>
      %swap3A_1349 = vector.shape_cast %add3A_1341 : vector<16xi32> to vector<1x1x16xi32>
      tpu.vector_store %arg9[%swap3A_1344, %swap3A_1345, %swap3A_1346], %swap3A_1349 {strides = array<i32>} : memref<2x2x128xi32, #tpu.memory_space<vmem>>, vector<1x1x16xi32>,
      %add3A_1350 = arith.constant 128 : i32
      %add3A_1351 = arith.addi %mul3A_1102, %add3A_1350 : i32
      %add3A_1352 = arith.constant 64 : i32
      %add3A_1353 = arith.addi %add3A_1351, %add3A_1352 : i32
      %mul3A_1354 = arith.constant 200 : i32
      %mul3A_1355 = arith.muli %add3A_1353, %mul3A_1354 : i32
      %add3A_1356 = arith.addi %mul3A_1355, %select_n3A_1084 : i32
      %add3A_1357 = vector.broadcast %add3A_1356 : i32 to vector<16xi32>
      %add3A_1358 = arith.addi %mul3A_1145, %add3A_1357 : vector<16xi32>
      %swap3A_1359 = arith.constant 1 : i32
      %swap3A_1360 = arith.constant 1 : i32
      %swap3A_1361 = arith.index_cast %swap3A_1359 : i32 to index
      %swap3A_1362 = arith.index_cast %swap3A_1360 : i32 to index
      %swap3A_1363 = arith.constant 64 : index
      %swap3A_1364 = tpu.vector_load %arg9[%swap3A_1361, %swap3A_1362, %swap3A_1363] {strides = array<i32>} : memref<2x2x128xi32, #tpu.memory_space<vmem>>, vector<1x1x16xi32>,
      %swap3A_1365 = vector.shape_cast %swap3A_1364 : vector<1x1x16xi32> to vector<16xi32>
      %swap3A_1366 = vector.shape_cast %add3A_1358 : vector<16xi32> to vector<1x1x16xi32>
      tpu.vector_store %arg9[%swap3A_1361, %swap3A_1362, %swap3A_1363], %swap3A_1366 {strides = array<i32>} : memref<2x2x128xi32, #tpu.memory_space<vmem>>, vector<1x1x16xi32>,
      %add3A_1367 = arith.constant 128 : i32
      %add3A_1368 = arith.addi %mul3A_1102, %add3A_1367 : i32
      %add3A_1369 = arith.constant 80 : i32
      %add3A_1370 = arith.addi %add3A_1368, %add3A_1369 : i32
      %mul3A_1371 = arith.constant 200 : i32
      %mul3A_1372 = arith.muli %add3A_1370, %mul3A_1371 : i32
      %add3A_1373 = arith.addi %mul3A_1372, %select_n3A_1084 : i32
      %add3A_1374 = vector.broadcast %add3A_1373 : i32 to vector<16xi32>
      %add3A_1375 = arith.addi %mul3A_1145, %add3A_1374 : vector<16xi32>
      %swap3A_1376 = arith.constant 1 : i32
      %swap3A_1377 = arith.constant 1 : i32
      %swap3A_1378 = arith.index_cast %swap3A_1376 : i32 to index
      %swap3A_1379 = arith.index_cast %swap3A_1377 : i32 to index
      %swap3A_1380 = arith.constant 80 : index
      %swap3A_1381 = tpu.vector_load %arg9[%swap3A_1378, %swap3A_1379, %swap3A_1380] {strides = array<i32>} : memref<2x2x128xi32, #tpu.memory_space<vmem>>, vector<1x1x16xi32>,
      %swap3A_1382 = vector.shape_cast %swap3A_1381 : vector<1x1x16xi32> to vector<16xi32>
      %swap3A_1383 = vector.shape_cast %add3A_1375 : vector<16xi32> to vector<1x1x16xi32>
      tpu.vector_store %arg9[%swap3A_1378, %swap3A_1379, %swap3A_1380], %swap3A_1383 {strides = array<i32>} : memref<2x2x128xi32, #tpu.memory_space<vmem>>, vector<1x1x16xi32>,
      %add3A_1384 = arith.constant 128 : i32
      %add3A_1385 = arith.addi %mul3A_1102, %add3A_1384 : i32
      %add3A_1386 = arith.constant 96 : i32
      %add3A_1387 = arith.addi %add3A_1385, %add3A_1386 : i32
      %mul3A_1388 = arith.constant 200 : i32
      %mul3A_1389 = arith.muli %add3A_1387, %mul3A_1388 : i32
      %add3A_1390 = arith.addi %mul3A_1389, %select_n3A_1084 : i32
      %add3A_1391 = vector.broadcast %add3A_1390 : i32 to vector<16xi32>
      %add3A_1392 = arith.addi %mul3A_1145, %add3A_1391 : vector<16xi32>
      %swap3A_1393 = arith.constant 1 : i32
      %swap3A_1394 = arith.constant 1 : i32
      %swap3A_1395 = arith.index_cast %swap3A_1393 : i32 to index
      %swap3A_1396 = arith.index_cast %swap3A_1394 : i32 to index
      %swap3A_1397 = arith.constant 96 : index
      %swap3A_1398 = tpu.vector_load %arg9[%swap3A_1395, %swap3A_1396, %swap3A_1397] {strides = array<i32>} : memref<2x2x128xi32, #tpu.memory_space<vmem>>, vector<1x1x16xi32>,
      %swap3A_1399 = vector.shape_cast %swap3A_1398 : vector<1x1x16xi32> to vector<16xi32>
      %swap3A_1400 = vector.shape_cast %add3A_1392 : vector<16xi32> to vector<1x1x16xi32>
      tpu.vector_store %arg9[%swap3A_1395, %swap3A_1396, %swap3A_1397], %swap3A_1400 {strides = array<i32>} : memref<2x2x128xi32, #tpu.memory_space<vmem>>, vector<1x1x16xi32>,
      %add3A_1401 = arith.constant 128 : i32
      %add3A_1402 = arith.addi %mul3A_1102, %add3A_1401 : i32
      %add3A_1403 = arith.constant 112 : i32
      %add3A_1404 = arith.addi %add3A_1402, %add3A_1403 : i32
      %mul3A_1405 = arith.constant 200 : i32
      %mul3A_1406 = arith.muli %add3A_1404, %mul3A_1405 : i32
      %add3A_1407 = arith.addi %mul3A_1406, %select_n3A_1084 : i32
      %add3A_1408 = vector.broadcast %add3A_1407 : i32 to vector<16xi32>
      %add3A_1409 = arith.addi %mul3A_1145, %add3A_1408 : vector<16xi32>
      %swap3A_1410 = arith.constant 1 : i32
      %swap3A_1411 = arith.constant 1 : i32
      %swap3A_1412 = arith.index_cast %swap3A_1410 : i32 to index
      %swap3A_1413 = arith.index_cast %swap3A_1411 : i32 to index
      %swap3A_1414 = arith.constant 112 : index
      %swap3A_1415 = tpu.vector_load %arg9[%swap3A_1412, %swap3A_1413, %swap3A_1414] {strides = array<i32>} : memref<2x2x128xi32, #tpu.memory_space<vmem>>, vector<1x1x16xi32>,
      %swap3A_1416 = vector.shape_cast %swap3A_1415 : vector<1x1x16xi32> to vector<16xi32>
      %swap3A_1417 = vector.shape_cast %add3A_1409 : vector<16xi32> to vector<1x1x16xi32>
      tpu.vector_store %arg9[%swap3A_1412, %swap3A_1413, %swap3A_1414], %swap3A_1417 {strides = array<i32>} : memref<2x2x128xi32, #tpu.memory_space<vmem>>, vector<1x1x16xi32>,
      %dma_start3A_1418 = arith.constant 1 : i32
      %dma_start3A_1419 = arith.constant 1 : i32
      %dma_start3A_1420 = arith.constant 0 : i32
      %dma_start3A_1421 = arith.constant 0 : i32
      %dma_start3A_1422 = arith.constant 0 : i32
      %dma_start3A_1423 = tpu.memref_slice %arg8[%dma_start3A_1418, %dma_start3A_1421, %dma_start3A_1422] : memref<2x256x128xf32, #tpu.memory_space<vmem>> -> memref<1x128x128xf32, #tpu.memory_space<vmem>>
      %dma_start3A_1424 = tpu.memref_squeeze %dma_start3A_1423 : memref<1x128x128xf32, #tpu.memory_space<vmem>> -> memref<128x128xf32, #tpu.memory_space<vmem>>
      %dma_start3A_1425 = arith.constant 0 : i32
      %dma_start3A_1426 = tpu.memref_slice %arg9[%dma_start3A_1419, %dma_start3A_1420, %dma_start3A_1425] : memref<2x2x128xi32, #tpu.memory_space<vmem>> -> memref<1x1x128xi32, #tpu.memory_space<vmem>>
      %dma_start3A_1427 = tpu.memref_squeeze %dma_start3A_1426 : memref<1x1x128xi32, #tpu.memory_space<vmem>> -> memref<128xi32, #tpu.memory_space<vmem>>
      %dma_start3A_1428 = arith.constant 0 : i32
      %dma_start3A_1429 = arith.constant 0 : i32
      %dma_start3A_1430 = tpu.memref_slice %arg5[%dma_start3A_1428, %dma_start3A_1429] : memref<204800x128xf32, #tpu.memory_space<hbm>> -> memref<204800x128xf32, #tpu.memory_space<hbm>>
      tpu.enqueue_indirect_dma source(%dma_start3A_1424 : memref<128x128xf32, #tpu.memory_space<vmem>>) target(%dma_start3A_1430 : memref<204800x128xf32, #tpu.memory_space<hbm>>) offsets(%dma_start3A_1427 : memref<128xi32, #tpu.memory_space<vmem>>) semaphore(%arg14 : memref<!tpu.dma_semaphore, #tpu.memory_space<semaphore_mem>>)
      %dma_start3A_1431 = arith.constant 1 : i32
      %dma_start3A_1432 = arith.constant 1 : i32
      %dma_start3A_1433 = arith.constant 1 : i32
      %dma_start3A_1434 = arith.constant 128 : i32
      %dma_start3A_1435 = arith.constant 0 : i32
      %dma_start3A_1436 = tpu.memref_slice %arg8[%dma_start3A_1431, %dma_start3A_1434, %dma_start3A_1435] : memref<2x256x128xf32, #tpu.memory_space<vmem>> -> memref<1x128x128xf32, #tpu.memory_space<vmem>>
      %dma_start3A_1437 = tpu.memref_squeeze %dma_start3A_1436 : memref<1x128x128xf32, #tpu.memory_space<vmem>> -> memref<128x128xf32, #tpu.memory_space<vmem>>
      %dma_start3A_1438 = arith.constant 0 : i32
      %dma_start3A_1439 = tpu.memref_slice %arg9[%dma_start3A_1432, %dma_start3A_1433, %dma_start3A_1438] : memref<2x2x128xi32, #tpu.memory_space<vmem>> -> memref<1x1x128xi32, #tpu.memory_space<vmem>>
      %dma_start3A_1440 = tpu.memref_squeeze %dma_start3A_1439 : memref<1x1x128xi32, #tpu.memory_space<vmem>> -> memref<128xi32, #tpu.memory_space<vmem>>
      %dma_start3A_1441 = arith.constant 0 : i32
      %dma_start3A_1442 = arith.constant 0 : i32
      %dma_start3A_1443 = tpu.memref_slice %arg5[%dma_start3A_1441, %dma_start3A_1442] : memref<204800x128xf32, #tpu.memory_space<hbm>> -> memref<204800x128xf32, #tpu.memory_space<hbm>>
      tpu.enqueue_indirect_dma source(%dma_start3A_1437 : memref<128x128xf32, #tpu.memory_space<vmem>>) target(%dma_start3A_1443 : memref<204800x128xf32, #tpu.memory_space<hbm>>) offsets(%dma_start3A_1440 : memref<128xi32, #tpu.memory_space<vmem>>) semaphore(%arg14 : memref<!tpu.dma_semaphore, #tpu.memory_space<semaphore_mem>>)
    }
    %scan3A_82 = arith.constant 12 : i32
    %dma_wait3A_83 = arith.constant 0 : i32
    %dma_wait3A_84 = arith.constant 0 : i32
    %dma_wait3A_85 = arith.constant 0 : i32
    %dma_wait3A_86 = tpu.memref_slice %arg8[%dma_wait3A_83, %dma_wait3A_84, %dma_wait3A_85] : memref<2x256x128xf32, #tpu.memory_space<vmem>> -> memref<1x128x128xf32, #tpu.memory_space<vmem>>
    %dma_wait3A_87 = tpu.memref_squeeze %dma_wait3A_86 : memref<1x128x128xf32, #tpu.memory_space<vmem>> -> memref<128x128xf32, #tpu.memory_space<vmem>>
    %dma_wait3A_88 = arith.constant 6144 : i32
    %dma_wait3A_89 = tpu.memref_slice %arg6[%dma_wait3A_88] : memref<6400xi32, #tpu.memory_space<vmem>> -> memref<128xi32, #tpu.memory_space<vmem>>
    %dma_wait3A_90 = arith.constant 0 : i32
    %dma_wait3A_91 = arith.constant 0 : i32
    %dma_wait3A_92 = tpu.memref_slice %arg3[%dma_wait3A_90, %dma_wait3A_91] : memref<100000x128xf32, #tpu.memory_space<hbm>> -> memref<100000x128xf32, #tpu.memory_space<hbm>>
    tpu.wait_indirect_dma semaphore(%arg11 : memref<!tpu.dma_semaphore, #tpu.memory_space<semaphore_mem>>) src(%dma_wait3A_92 : memref<100000x128xf32, #tpu.memory_space<hbm>>) dst(%dma_wait3A_87 : memref<128x128xf32, #tpu.memory_space<vmem>>)
    %dma_wait3A_93 = arith.constant 0 : i32
    %dma_wait3A_94 = arith.constant 128 : i32
    %dma_wait3A_95 = arith.constant 0 : i32
    %dma_wait3A_96 = tpu.memref_slice %arg8[%dma_wait3A_93, %dma_wait3A_94, %dma_wait3A_95] : memref<2x256x128xf32, #tpu.memory_space<vmem>> -> memref<1x128x128xf32, #tpu.memory_space<vmem>>
    %dma_wait3A_97 = tpu.memref_squeeze %dma_wait3A_96 : memref<1x128x128xf32, #tpu.memory_space<vmem>> -> memref<128x128xf32, #tpu.memory_space<vmem>>
    %dma_wait3A_98 = arith.constant 6272 : i32
    %dma_wait3A_99 = tpu.memref_slice %arg6[%dma_wait3A_98] : memref<6400xi32, #tpu.memory_space<vmem>> -> memref<128xi32, #tpu.memory_space<vmem>>
    %dma_wait3A_100 = arith.constant 0 : i32
    %dma_wait3A_101 = arith.constant 0 : i32
    %dma_wait3A_102 = tpu.memref_slice %arg3[%dma_wait3A_100, %dma_wait3A_101] : memref<100000x128xf32, #tpu.memory_space<hbm>> -> memref<100000x128xf32, #tpu.memory_space<hbm>>
    tpu.wait_indirect_dma semaphore(%arg11 : memref<!tpu.dma_semaphore, #tpu.memory_space<semaphore_mem>>) src(%dma_wait3A_102 : memref<100000x128xf32, #tpu.memory_space<hbm>>) dst(%dma_wait3A_97 : memref<128x128xf32, #tpu.memory_space<vmem>>)
    %add3A_103 = arith.constant 24 : i32
    %add3A_104 = arith.addi %mul3A_2, %add3A_103 : i32
    %jit3A_105 = arith.constant 4 : i32
    %div3A_106 = arith.divsi %add3A_104, %jit3A_105 : i32
    %sign3A_107 = arith.constant 0 : i32
    %sign3A_108 = arith.cmpi sgt, %add3A_104, %sign3A_107 : i32
    %sign3A_109 = arith.extui %sign3A_108 : i1 to i32
    %sign3A_110 = arith.constant 0 : i32
    %sign3A_111 = arith.cmpi slt, %add3A_104, %sign3A_110 : i32
    %sign3A_112 = arith.extui %sign3A_111 : i1 to i32
    %sign3A_113 = arith.subi %sign3A_109, %sign3A_112 : i32
    %sign3A_114 = arith.constant 0 : i32
    %sign3A_115 = arith.cmpi sgt, %jit3A_105, %sign3A_114 : i32
    %sign3A_116 = arith.extui %sign3A_115 : i1 to i32
    %sign3A_117 = arith.constant 0 : i32
    %sign3A_118 = arith.cmpi slt, %jit3A_105, %sign3A_117 : i32
    %sign3A_119 = arith.extui %sign3A_118 : i1 to i32
    %sign3A_120 = arith.subi %sign3A_116, %sign3A_119 : i32
    %ne3A_121 = arith.cmpi ne, %sign3A_113, %sign3A_120 : i32
    %rem3A_122 = arith.remsi %add3A_104, %jit3A_105 : i32
    %ne3A_123 = arith.constant 0 : i32
    %ne3A_124 = arith.cmpi ne, %rem3A_122, %ne3A_123 : i32
    %and3A_125 = arith.andi %ne3A_121, %ne3A_124 : i1
    %sub3A_126 = arith.constant 1 : i32
    %sub3A_127 = arith.subi %div3A_106, %sub3A_126 : i32
    %select_n3A_128 = arith.select %and3A_125, %sub3A_127, %div3A_106 : i32
    %jit3A_129 = arith.constant 4 : i32
    %eq3A = arith.constant 0 : i32
    %eq3A_130 = arith.cmpi eq, %jit3A_129, %eq3A : i32
    %jit3A_131 = arith.constant 1 : i32
    %select_n3A_132 = arith.select %eq3A_130, %jit3A_131, %jit3A_129 : i32
    %rem3A_133 = arith.remsi %add3A_104, %select_n3A_132 : i32
    %ne3A_134 = arith.constant 0 : i32
    %ne3A_135 = arith.cmpi ne, %rem3A_133, %ne3A_134 : i32
    %lt3A = arith.constant 0 : i32
    %lt3A_136 = arith.cmpi slt, %rem3A_133, %lt3A : i32
    %lt3A_137 = arith.constant 0 : i32
    %lt3A_138 = arith.cmpi slt, %select_n3A_132, %lt3A_137 : i32
    %ne3A_139 = arith.xori %lt3A_136, %lt3A_138 : i1
    %and3A_140 = arith.andi %ne3A_139, %ne3A_135 : i1
    %add3A_141 = arith.addi %rem3A_133, %select_n3A_132 : i32
    %select_n3A_142 = arith.select %and3A_140, %add3A_141, %rem3A_133 : i32
    %mul3A_143 = arith.constant 256 : i32
    %mul3A_144 = arith.muli %select_n3A_142, %mul3A_143 : i32
    %sub3A_145 = arith.subi %select_n3A_128, %min3A_45 : i32
    %get3A = arith.index_cast %sub3A_145 : i32 to index
    %get3A_146 = arith.constant 0 : index
    %get3A_147 = tpu.vector_load %arg7[%get3A, %get3A_146] {strides = array<i32>} : memref<16x128xf32, #tpu.memory_space<vmem>>, vector<1x16xf32>,
    %get3A_148 = vector.shape_cast %get3A_147 : vector<1x16xf32> to vector<16xf32>
    %get3A_149 = arith.index_cast %sub3A_145 : i32 to index
    %get3A_150 = arith.constant 16 : index
    %get3A_151 = tpu.vector_load %arg7[%get3A_149, %get3A_150] {strides = array<i32>} : memref<16x128xf32, #tpu.memory_space<vmem>>, vector<1x16xf32>,
    %get3A_152 = vector.shape_cast %get3A_151 : vector<1x16xf32> to vector<16xf32>
    %get3A_153 = arith.index_cast %sub3A_145 : i32 to index
    %get3A_154 = arith.constant 32 : index
    %get3A_155 = tpu.vector_load %arg7[%get3A_153, %get3A_154] {strides = array<i32>} : memref<16x128xf32, #tpu.memory_space<vmem>>, vector<1x16xf32>,
    %get3A_156 = vector.shape_cast %get3A_155 : vector<1x16xf32> to vector<16xf32>
    %get3A_157 = arith.index_cast %sub3A_145 : i32 to index
    %get3A_158 = arith.constant 48 : index
    %get3A_159 = tpu.vector_load %arg7[%get3A_157, %get3A_158] {strides = array<i32>} : memref<16x128xf32, #tpu.memory_space<vmem>>, vector<1x16xf32>,
    %get3A_160 = vector.shape_cast %get3A_159 : vector<1x16xf32> to vector<16xf32>
    %get3A_161 = arith.index_cast %sub3A_145 : i32 to index
    %get3A_162 = arith.constant 64 : index
    %get3A_163 = tpu.vector_load %arg7[%get3A_161, %get3A_162] {strides = array<i32>} : memref<16x128xf32, #tpu.memory_space<vmem>>, vector<1x16xf32>,
    %get3A_164 = vector.shape_cast %get3A_163 : vector<1x16xf32> to vector<16xf32>
    %get3A_165 = arith.index_cast %sub3A_145 : i32 to index
    %get3A_166 = arith.constant 80 : index
    %get3A_167 = tpu.vector_load %arg7[%get3A_165, %get3A_166] {strides = array<i32>} : memref<16x128xf32, #tpu.memory_space<vmem>>, vector<1x16xf32>,
    %get3A_168 = vector.shape_cast %get3A_167 : vector<1x16xf32> to vector<16xf32>
    %get3A_169 = arith.index_cast %sub3A_145 : i32 to index
    %get3A_170 = arith.constant 96 : index
    %get3A_171 = tpu.vector_load %arg7[%get3A_169, %get3A_170] {strides = array<i32>} : memref<16x128xf32, #tpu.memory_space<vmem>>, vector<1x16xf32>,
    %get3A_172 = vector.shape_cast %get3A_171 : vector<1x16xf32> to vector<16xf32>
    %get3A_173 = arith.index_cast %sub3A_145 : i32 to index
    %get3A_174 = arith.constant 112 : index
    %get3A_175 = tpu.vector_load %arg7[%get3A_173, %get3A_174] {strides = array<i32>} : memref<16x128xf32, #tpu.memory_space<vmem>>, vector<1x16xf32>,
    %get3A_176 = vector.shape_cast %get3A_175 : vector<1x16xf32> to vector<16xf32>
    %scan3A_177 = arith.constant 0 : i32
    %scan3A_178 = arith.constant 0 : i32
    %scan3A_179 = arith.constant 256 : i32
    %scan3A_180 = arith.addi %scan3A_178, %scan3A_179 : i32
    %scan3A_181 = arith.constant 1 : i32
    scf.for %scan3A_535 = %scan3A_178 to %scan3A_180 step %scan3A_181  : i32 {
      %get3A_536 = arith.constant 0 : i32
      %get3A_537 = arith.index_cast %get3A_536 : i32 to index
      %get3A_538 = arith.index_cast %scan3A_535 : i32 to index
      %get3A_539 = arith.constant 0 : index
      %get3A_540 = tpu.vector_load %arg8[%get3A_537, %get3A_538, %get3A_539] {strides = array<i32>} : memref<2x256x128xf32, #tpu.memory_space<vmem>>, vector<1x1x16xf32>,
      %get3A_541 = vector.shape_cast %get3A_540 : vector<1x1x16xf32> to vector<16xf32>
      %add3A_542 = arith.addf %get3A_541, %get3A_148 : vector<16xf32>
      %swap3A_543 = arith.constant 0 : i32
      %swap3A_544 = arith.index_cast %swap3A_543 : i32 to index
      %swap3A_545 = arith.index_cast %scan3A_535 : i32 to index
      %swap3A_546 = arith.constant 0 : index
      %swap3A_547 = tpu.vector_load %arg8[%swap3A_544, %swap3A_545, %swap3A_546] {strides = array<i32>} : memref<2x256x128xf32, #tpu.memory_space<vmem>>, vector<1x1x16xf32>,
      %swap3A_548 = vector.shape_cast %swap3A_547 : vector<1x1x16xf32> to vector<16xf32>
      %swap3A_549 = vector.shape_cast %add3A_542 : vector<16xf32> to vector<1x1x16xf32>
      tpu.vector_store %arg8[%swap3A_544, %swap3A_545, %swap3A_546], %swap3A_549 {strides = array<i32>} : memref<2x256x128xf32, #tpu.memory_space<vmem>>, vector<1x1x16xf32>,
      %get3A_550 = arith.constant 0 : i32
      %get3A_551 = arith.index_cast %get3A_550 : i32 to index
      %get3A_552 = arith.index_cast %scan3A_535 : i32 to index
      %get3A_553 = arith.constant 16 : index
      %get3A_554 = tpu.vector_load %arg8[%get3A_551, %get3A_552, %get3A_553] {strides = array<i32>} : memref<2x256x128xf32, #tpu.memory_space<vmem>>, vector<1x1x16xf32>,
      %get3A_555 = vector.shape_cast %get3A_554 : vector<1x1x16xf32> to vector<16xf32>
      %add3A_556 = arith.addf %get3A_555, %get3A_152 : vector<16xf32>
      %swap3A_557 = arith.constant 0 : i32
      %swap3A_558 = arith.index_cast %swap3A_557 : i32 to index
      %swap3A_559 = arith.index_cast %scan3A_535 : i32 to index
      %swap3A_560 = arith.constant 16 : index
      %swap3A_561 = tpu.vector_load %arg8[%swap3A_558, %swap3A_559, %swap3A_560] {strides = array<i32>} : memref<2x256x128xf32, #tpu.memory_space<vmem>>, vector<1x1x16xf32>,
      %swap3A_562 = vector.shape_cast %swap3A_561 : vector<1x1x16xf32> to vector<16xf32>
      %swap3A_563 = vector.shape_cast %add3A_556 : vector<16xf32> to vector<1x1x16xf32>
      tpu.vector_store %arg8[%swap3A_558, %swap3A_559, %swap3A_560], %swap3A_563 {strides = array<i32>} : memref<2x256x128xf32, #tpu.memory_space<vmem>>, vector<1x1x16xf32>,
      %get3A_564 = arith.constant 0 : i32
      %get3A_565 = arith.index_cast %get3A_564 : i32 to index
      %get3A_566 = arith.index_cast %scan3A_535 : i32 to index
      %get3A_567 = arith.constant 32 : index
      %get3A_568 = tpu.vector_load %arg8[%get3A_565, %get3A_566, %get3A_567] {strides = array<i32>} : memref<2x256x128xf32, #tpu.memory_space<vmem>>, vector<1x1x16xf32>,
      %get3A_569 = vector.shape_cast %get3A_568 : vector<1x1x16xf32> to vector<16xf32>
      %add3A_570 = arith.addf %get3A_569, %get3A_156 : vector<16xf32>
      %swap3A_571 = arith.constant 0 : i32
      %swap3A_572 = arith.index_cast %swap3A_571 : i32 to index
      %swap3A_573 = arith.index_cast %scan3A_535 : i32 to index
      %swap3A_574 = arith.constant 32 : index
      %swap3A_575 = tpu.vector_load %arg8[%swap3A_572, %swap3A_573, %swap3A_574] {strides = array<i32>} : memref<2x256x128xf32, #tpu.memory_space<vmem>>, vector<1x1x16xf32>,
      %swap3A_576 = vector.shape_cast %swap3A_575 : vector<1x1x16xf32> to vector<16xf32>
      %swap3A_577 = vector.shape_cast %add3A_570 : vector<16xf32> to vector<1x1x16xf32>
      tpu.vector_store %arg8[%swap3A_572, %swap3A_573, %swap3A_574], %swap3A_577 {strides = array<i32>} : memref<2x256x128xf32, #tpu.memory_space<vmem>>, vector<1x1x16xf32>,
      %get3A_578 = arith.constant 0 : i32
      %get3A_579 = arith.index_cast %get3A_578 : i32 to index
      %get3A_580 = arith.index_cast %scan3A_535 : i32 to index
      %get3A_581 = arith.constant 48 : index
      %get3A_582 = tpu.vector_load %arg8[%get3A_579, %get3A_580, %get3A_581] {strides = array<i32>} : memref<2x256x128xf32, #tpu.memory_space<vmem>>, vector<1x1x16xf32>,
      %get3A_583 = vector.shape_cast %get3A_582 : vector<1x1x16xf32> to vector<16xf32>
      %add3A_584 = arith.addf %get3A_583, %get3A_160 : vector<16xf32>
      %swap3A_585 = arith.constant 0 : i32
      %swap3A_586 = arith.index_cast %swap3A_585 : i32 to index
      %swap3A_587 = arith.index_cast %scan3A_535 : i32 to index
      %swap3A_588 = arith.constant 48 : index
      %swap3A_589 = tpu.vector_load %arg8[%swap3A_586, %swap3A_587, %swap3A_588] {strides = array<i32>} : memref<2x256x128xf32, #tpu.memory_space<vmem>>, vector<1x1x16xf32>,
      %swap3A_590 = vector.shape_cast %swap3A_589 : vector<1x1x16xf32> to vector<16xf32>
      %swap3A_591 = vector.shape_cast %add3A_584 : vector<16xf32> to vector<1x1x16xf32>
      tpu.vector_store %arg8[%swap3A_586, %swap3A_587, %swap3A_588], %swap3A_591 {strides = array<i32>} : memref<2x256x128xf32, #tpu.memory_space<vmem>>, vector<1x1x16xf32>,
      %get3A_592 = arith.constant 0 : i32
      %get3A_593 = arith.index_cast %get3A_592 : i32 to index
      %get3A_594 = arith.index_cast %scan3A_535 : i32 to index
      %get3A_595 = arith.constant 64 : index
      %get3A_596 = tpu.vector_load %arg8[%get3A_593, %get3A_594, %get3A_595] {strides = array<i32>} : memref<2x256x128xf32, #tpu.memory_space<vmem>>, vector<1x1x16xf32>,
      %get3A_597 = vector.shape_cast %get3A_596 : vector<1x1x16xf32> to vector<16xf32>
      %add3A_598 = arith.addf %get3A_597, %get3A_164 : vector<16xf32>
      %swap3A_599 = arith.constant 0 : i32
      %swap3A_600 = arith.index_cast %swap3A_599 : i32 to index
      %swap3A_601 = arith.index_cast %scan3A_535 : i32 to index
      %swap3A_602 = arith.constant 64 : index
      %swap3A_603 = tpu.vector_load %arg8[%swap3A_600, %swap3A_601, %swap3A_602] {strides = array<i32>} : memref<2x256x128xf32, #tpu.memory_space<vmem>>, vector<1x1x16xf32>,
      %swap3A_604 = vector.shape_cast %swap3A_603 : vector<1x1x16xf32> to vector<16xf32>
      %swap3A_605 = vector.shape_cast %add3A_598 : vector<16xf32> to vector<1x1x16xf32>
      tpu.vector_store %arg8[%swap3A_600, %swap3A_601, %swap3A_602], %swap3A_605 {strides = array<i32>} : memref<2x256x128xf32, #tpu.memory_space<vmem>>, vector<1x1x16xf32>,
      %get3A_606 = arith.constant 0 : i32
      %get3A_607 = arith.index_cast %get3A_606 : i32 to index
      %get3A_608 = arith.index_cast %scan3A_535 : i32 to index
      %get3A_609 = arith.constant 80 : index
      %get3A_610 = tpu.vector_load %arg8[%get3A_607, %get3A_608, %get3A_609] {strides = array<i32>} : memref<2x256x128xf32, #tpu.memory_space<vmem>>, vector<1x1x16xf32>,
      %get3A_611 = vector.shape_cast %get3A_610 : vector<1x1x16xf32> to vector<16xf32>
      %add3A_612 = arith.addf %get3A_611, %get3A_168 : vector<16xf32>
      %swap3A_613 = arith.constant 0 : i32
      %swap3A_614 = arith.index_cast %swap3A_613 : i32 to index
      %swap3A_615 = arith.index_cast %scan3A_535 : i32 to index
      %swap3A_616 = arith.constant 80 : index
      %swap3A_617 = tpu.vector_load %arg8[%swap3A_614, %swap3A_615, %swap3A_616] {strides = array<i32>} : memref<2x256x128xf32, #tpu.memory_space<vmem>>, vector<1x1x16xf32>,
      %swap3A_618 = vector.shape_cast %swap3A_617 : vector<1x1x16xf32> to vector<16xf32>
      %swap3A_619 = vector.shape_cast %add3A_612 : vector<16xf32> to vector<1x1x16xf32>
      tpu.vector_store %arg8[%swap3A_614, %swap3A_615, %swap3A_616], %swap3A_619 {strides = array<i32>} : memref<2x256x128xf32, #tpu.memory_space<vmem>>, vector<1x1x16xf32>,
      %get3A_620 = arith.constant 0 : i32
      %get3A_621 = arith.index_cast %get3A_620 : i32 to index
      %get3A_622 = arith.index_cast %scan3A_535 : i32 to index
      %get3A_623 = arith.constant 96 : index
      %get3A_624 = tpu.vector_load %arg8[%get3A_621, %get3A_622, %get3A_623] {strides = array<i32>} : memref<2x256x128xf32, #tpu.memory_space<vmem>>, vector<1x1x16xf32>,
      %get3A_625 = vector.shape_cast %get3A_624 : vector<1x1x16xf32> to vector<16xf32>
      %add3A_626 = arith.addf %get3A_625, %get3A_172 : vector<16xf32>
      %swap3A_627 = arith.constant 0 : i32
      %swap3A_628 = arith.index_cast %swap3A_627 : i32 to index
      %swap3A_629 = arith.index_cast %scan3A_535 : i32 to index
      %swap3A_630 = arith.constant 96 : index
      %swap3A_631 = tpu.vector_load %arg8[%swap3A_628, %swap3A_629, %swap3A_630] {strides = array<i32>} : memref<2x256x128xf32, #tpu.memory_space<vmem>>, vector<1x1x16xf32>,
      %swap3A_632 = vector.shape_cast %swap3A_631 : vector<1x1x16xf32> to vector<16xf32>
      %swap3A_633 = vector.shape_cast %add3A_626 : vector<16xf32> to vector<1x1x16xf32>
      tpu.vector_store %arg8[%swap3A_628, %swap3A_629, %swap3A_630], %swap3A_633 {strides = array<i32>} : memref<2x256x128xf32, #tpu.memory_space<vmem>>, vector<1x1x16xf32>,
      %get3A_634 = arith.constant 0 : i32
      %get3A_635 = arith.index_cast %get3A_634 : i32 to index
      %get3A_636 = arith.index_cast %scan3A_535 : i32 to index
      %get3A_637 = arith.constant 112 : index
      %get3A_638 = tpu.vector_load %arg8[%get3A_635, %get3A_636, %get3A_637] {strides = array<i32>} : memref<2x256x128xf32, #tpu.memory_space<vmem>>, vector<1x1x16xf32>,
      %get3A_639 = vector.shape_cast %get3A_638 : vector<1x1x16xf32> to vector<16xf32>
      %add3A_640 = arith.addf %get3A_639, %get3A_176 : vector<16xf32>
      %swap3A_641 = arith.constant 0 : i32
      %swap3A_642 = arith.index_cast %swap3A_641 : i32 to index
      %swap3A_643 = arith.index_cast %scan3A_535 : i32 to index
      %swap3A_644 = arith.constant 112 : index
      %swap3A_645 = tpu.vector_load %arg8[%swap3A_642, %swap3A_643, %swap3A_644] {strides = array<i32>} : memref<2x256x128xf32, #tpu.memory_space<vmem>>, vector<1x1x16xf32>,
      %swap3A_646 = vector.shape_cast %swap3A_645 : vector<1x1x16xf32> to vector<16xf32>
      %swap3A_647 = vector.shape_cast %add3A_640 : vector<16xf32> to vector<1x1x16xf32>
      tpu.vector_store %arg8[%swap3A_642, %swap3A_643, %swap3A_644], %swap3A_647 {strides = array<i32>} : memref<2x256x128xf32, #tpu.memory_space<vmem>>, vector<1x1x16xf32>,
    }
    %scan3A_182 = arith.constant 256 : i32
    %iota3A = tpu.iota {dimensions = array<i32: 0>} : vector<16xi32>
    %mul3A_183 = arith.constant 200 : i32
    %mul3A_184 = vector.broadcast %mul3A_183 : i32 to vector<16xi32>
    %mul3A_185 = arith.muli %iota3A, %mul3A_184 : vector<16xi32>
    %add3A_186 = arith.constant 0 : i32
    %add3A_187 = arith.addi %mul3A_144, %add3A_186 : i32
    %add3A_188 = arith.constant 0 : i32
    %add3A_189 = arith.addi %add3A_187, %add3A_188 : i32
    %mul3A_190 = arith.constant 200 : i32
    %mul3A_191 = arith.muli %add3A_189, %mul3A_190 : i32
    %add3A_192 = arith.addi %mul3A_191, %select_n3A_128 : i32
    %add3A_193 = vector.broadcast %add3A_192 : i32 to vector<16xi32>
    %add3A_194 = arith.addi %mul3A_185, %add3A_193 : vector<16xi32>
    %swap3A = arith.constant 0 : i32
    %swap3A_195 = arith.constant 0 : i32
    %swap3A_196 = arith.index_cast %swap3A : i32 to index
    %swap3A_197 = arith.index_cast %swap3A_195 : i32 to index
    %swap3A_198 = arith.constant 0 : index
    %swap3A_199 = tpu.vector_load %arg9[%swap3A_196, %swap3A_197, %swap3A_198] {strides = array<i32>} : memref<2x2x128xi32, #tpu.memory_space<vmem>>, vector<1x1x16xi32>,
    %swap3A_200 = vector.shape_cast %swap3A_199 : vector<1x1x16xi32> to vector<16xi32>
    %swap3A_201 = vector.shape_cast %add3A_194 : vector<16xi32> to vector<1x1x16xi32>
    tpu.vector_store %arg9[%swap3A_196, %swap3A_197, %swap3A_198], %swap3A_201 {strides = array<i32>} : memref<2x2x128xi32, #tpu.memory_space<vmem>>, vector<1x1x16xi32>,
    %add3A_202 = arith.constant 0 : i32
    %add3A_203 = arith.addi %mul3A_144, %add3A_202 : i32
    %add3A_204 = arith.constant 16 : i32
    %add3A_205 = arith.addi %add3A_203, %add3A_204 : i32
    %mul3A_206 = arith.constant 200 : i32
    %mul3A_207 = arith.muli %add3A_205, %mul3A_206 : i32
    %add3A_208 = arith.addi %mul3A_207, %select_n3A_128 : i32
    %add3A_209 = vector.broadcast %add3A_208 : i32 to vector<16xi32>
    %add3A_210 = arith.addi %mul3A_185, %add3A_209 : vector<16xi32>
    %swap3A_211 = arith.constant 0 : i32
    %swap3A_212 = arith.constant 0 : i32
    %swap3A_213 = arith.index_cast %swap3A_211 : i32 to index
    %swap3A_214 = arith.index_cast %swap3A_212 : i32 to index
    %swap3A_215 = arith.constant 16 : index
    %swap3A_216 = tpu.vector_load %arg9[%swap3A_213, %swap3A_214, %swap3A_215] {strides = array<i32>} : memref<2x2x128xi32, #tpu.memory_space<vmem>>, vector<1x1x16xi32>,
    %swap3A_217 = vector.shape_cast %swap3A_216 : vector<1x1x16xi32> to vector<16xi32>
    %swap3A_218 = vector.shape_cast %add3A_210 : vector<16xi32> to vector<1x1x16xi32>
    tpu.vector_store %arg9[%swap3A_213, %swap3A_214, %swap3A_215], %swap3A_218 {strides = array<i32>} : memref<2x2x128xi32, #tpu.memory_space<vmem>>, vector<1x1x16xi32>,
    %add3A_219 = arith.constant 0 : i32
    %add3A_220 = arith.addi %mul3A_144, %add3A_219 : i32
    %add3A_221 = arith.constant 32 : i32
    %add3A_222 = arith.addi %add3A_220, %add3A_221 : i32
    %mul3A_223 = arith.constant 200 : i32
    %mul3A_224 = arith.muli %add3A_222, %mul3A_223 : i32
    %add3A_225 = arith.addi %mul3A_224, %select_n3A_128 : i32
    %add3A_226 = vector.broadcast %add3A_225 : i32 to vector<16xi32>
    %add3A_227 = arith.addi %mul3A_185, %add3A_226 : vector<16xi32>
    %swap3A_228 = arith.constant 0 : i32
    %swap3A_229 = arith.constant 0 : i32
    %swap3A_230 = arith.index_cast %swap3A_228 : i32 to index
    %swap3A_231 = arith.index_cast %swap3A_229 : i32 to index
    %swap3A_232 = arith.constant 32 : index
    %swap3A_233 = tpu.vector_load %arg9[%swap3A_230, %swap3A_231, %swap3A_232] {strides = array<i32>} : memref<2x2x128xi32, #tpu.memory_space<vmem>>, vector<1x1x16xi32>,
    %swap3A_234 = vector.shape_cast %swap3A_233 : vector<1x1x16xi32> to vector<16xi32>
    %swap3A_235 = vector.shape_cast %add3A_227 : vector<16xi32> to vector<1x1x16xi32>
    tpu.vector_store %arg9[%swap3A_230, %swap3A_231, %swap3A_232], %swap3A_235 {strides = array<i32>} : memref<2x2x128xi32, #tpu.memory_space<vmem>>, vector<1x1x16xi32>,
    %add3A_236 = arith.constant 0 : i32
    %add3A_237 = arith.addi %mul3A_144, %add3A_236 : i32
    %add3A_238 = arith.constant 48 : i32
    %add3A_239 = arith.addi %add3A_237, %add3A_238 : i32
    %mul3A_240 = arith.constant 200 : i32
    %mul3A_241 = arith.muli %add3A_239, %mul3A_240 : i32
    %add3A_242 = arith.addi %mul3A_241, %select_n3A_128 : i32
    %add3A_243 = vector.broadcast %add3A_242 : i32 to vector<16xi32>
    %add3A_244 = arith.addi %mul3A_185, %add3A_243 : vector<16xi32>
    %swap3A_245 = arith.constant 0 : i32
    %swap3A_246 = arith.constant 0 : i32
    %swap3A_247 = arith.index_cast %swap3A_245 : i32 to index
    %swap3A_248 = arith.index_cast %swap3A_246 : i32 to index
    %swap3A_249 = arith.constant 48 : index
    %swap3A_250 = tpu.vector_load %arg9[%swap3A_247, %swap3A_248, %swap3A_249] {strides = array<i32>} : memref<2x2x128xi32, #tpu.memory_space<vmem>>, vector<1x1x16xi32>,
    %swap3A_251 = vector.shape_cast %swap3A_250 : vector<1x1x16xi32> to vector<16xi32>
    %swap3A_252 = vector.shape_cast %add3A_244 : vector<16xi32> to vector<1x1x16xi32>
    tpu.vector_store %arg9[%swap3A_247, %swap3A_248, %swap3A_249], %swap3A_252 {strides = array<i32>} : memref<2x2x128xi32, #tpu.memory_space<vmem>>, vector<1x1x16xi32>,
    %add3A_253 = arith.constant 0 : i32
    %add3A_254 = arith.addi %mul3A_144, %add3A_253 : i32
    %add3A_255 = arith.constant 64 : i32
    %add3A_256 = arith.addi %add3A_254, %add3A_255 : i32
    %mul3A_257 = arith.constant 200 : i32
    %mul3A_258 = arith.muli %add3A_256, %mul3A_257 : i32
    %add3A_259 = arith.addi %mul3A_258, %select_n3A_128 : i32
    %add3A_260 = vector.broadcast %add3A_259 : i32 to vector<16xi32>
    %add3A_261 = arith.addi %mul3A_185, %add3A_260 : vector<16xi32>
    %swap3A_262 = arith.constant 0 : i32
    %swap3A_263 = arith.constant 0 : i32
    %swap3A_264 = arith.index_cast %swap3A_262 : i32 to index
    %swap3A_265 = arith.index_cast %swap3A_263 : i32 to index
    %swap3A_266 = arith.constant 64 : index
    %swap3A_267 = tpu.vector_load %arg9[%swap3A_264, %swap3A_265, %swap3A_266] {strides = array<i32>} : memref<2x2x128xi32, #tpu.memory_space<vmem>>, vector<1x1x16xi32>,
    %swap3A_268 = vector.shape_cast %swap3A_267 : vector<1x1x16xi32> to vector<16xi32>
    %swap3A_269 = vector.shape_cast %add3A_261 : vector<16xi32> to vector<1x1x16xi32>
    tpu.vector_store %arg9[%swap3A_264, %swap3A_265, %swap3A_266], %swap3A_269 {strides = array<i32>} : memref<2x2x128xi32, #tpu.memory_space<vmem>>, vector<1x1x16xi32>,
    %add3A_270 = arith.constant 0 : i32
    %add3A_271 = arith.addi %mul3A_144, %add3A_270 : i32
    %add3A_272 = arith.constant 80 : i32
    %add3A_273 = arith.addi %add3A_271, %add3A_272 : i32
    %mul3A_274 = arith.constant 200 : i32
    %mul3A_275 = arith.muli %add3A_273, %mul3A_274 : i32
    %add3A_276 = arith.addi %mul3A_275, %select_n3A_128 : i32
    %add3A_277 = vector.broadcast %add3A_276 : i32 to vector<16xi32>
    %add3A_278 = arith.addi %mul3A_185, %add3A_277 : vector<16xi32>
    %swap3A_279 = arith.constant 0 : i32
    %swap3A_280 = arith.constant 0 : i32
    %swap3A_281 = arith.index_cast %swap3A_279 : i32 to index
    %swap3A_282 = arith.index_cast %swap3A_280 : i32 to index
    %swap3A_283 = arith.constant 80 : index
    %swap3A_284 = tpu.vector_load %arg9[%swap3A_281, %swap3A_282, %swap3A_283] {strides = array<i32>} : memref<2x2x128xi32, #tpu.memory_space<vmem>>, vector<1x1x16xi32>,
    %swap3A_285 = vector.shape_cast %swap3A_284 : vector<1x1x16xi32> to vector<16xi32>
    %swap3A_286 = vector.shape_cast %add3A_278 : vector<16xi32> to vector<1x1x16xi32>
    tpu.vector_store %arg9[%swap3A_281, %swap3A_282, %swap3A_283], %swap3A_286 {strides = array<i32>} : memref<2x2x128xi32, #tpu.memory_space<vmem>>, vector<1x1x16xi32>,
    %add3A_287 = arith.constant 0 : i32
    %add3A_288 = arith.addi %mul3A_144, %add3A_287 : i32
    %add3A_289 = arith.constant 96 : i32
    %add3A_290 = arith.addi %add3A_288, %add3A_289 : i32
    %mul3A_291 = arith.constant 200 : i32
    %mul3A_292 = arith.muli %add3A_290, %mul3A_291 : i32
    %add3A_293 = arith.addi %mul3A_292, %select_n3A_128 : i32
    %add3A_294 = vector.broadcast %add3A_293 : i32 to vector<16xi32>
    %add3A_295 = arith.addi %mul3A_185, %add3A_294 : vector<16xi32>
    %swap3A_296 = arith.constant 0 : i32
    %swap3A_297 = arith.constant 0 : i32
    %swap3A_298 = arith.index_cast %swap3A_296 : i32 to index
    %swap3A_299 = arith.index_cast %swap3A_297 : i32 to index
    %swap3A_300 = arith.constant 96 : index
    %swap3A_301 = tpu.vector_load %arg9[%swap3A_298, %swap3A_299, %swap3A_300] {strides = array<i32>} : memref<2x2x128xi32, #tpu.memory_space<vmem>>, vector<1x1x16xi32>,
    %swap3A_302 = vector.shape_cast %swap3A_301 : vector<1x1x16xi32> to vector<16xi32>
    %swap3A_303 = vector.shape_cast %add3A_295 : vector<16xi32> to vector<1x1x16xi32>
    tpu.vector_store %arg9[%swap3A_298, %swap3A_299, %swap3A_300], %swap3A_303 {strides = array<i32>} : memref<2x2x128xi32, #tpu.memory_space<vmem>>, vector<1x1x16xi32>,
    %add3A_304 = arith.constant 0 : i32
    %add3A_305 = arith.addi %mul3A_144, %add3A_304 : i32
    %add3A_306 = arith.constant 112 : i32
    %add3A_307 = arith.addi %add3A_305, %add3A_306 : i32
    %mul3A_308 = arith.constant 200 : i32
    %mul3A_309 = arith.muli %add3A_307, %mul3A_308 : i32
    %add3A_310 = arith.addi %mul3A_309, %select_n3A_128 : i32
    %add3A_311 = vector.broadcast %add3A_310 : i32 to vector<16xi32>
    %add3A_312 = arith.addi %mul3A_185, %add3A_311 : vector<16xi32>
    %swap3A_313 = arith.constant 0 : i32
    %swap3A_314 = arith.constant 0 : i32
    %swap3A_315 = arith.index_cast %swap3A_313 : i32 to index
    %swap3A_316 = arith.index_cast %swap3A_314 : i32 to index
    %swap3A_317 = arith.constant 112 : index
    %swap3A_318 = tpu.vector_load %arg9[%swap3A_315, %swap3A_316, %swap3A_317] {strides = array<i32>} : memref<2x2x128xi32, #tpu.memory_space<vmem>>, vector<1x1x16xi32>,
    %swap3A_319 = vector.shape_cast %swap3A_318 : vector<1x1x16xi32> to vector<16xi32>
    %swap3A_320 = vector.shape_cast %add3A_312 : vector<16xi32> to vector<1x1x16xi32>
    tpu.vector_store %arg9[%swap3A_315, %swap3A_316, %swap3A_317], %swap3A_320 {strides = array<i32>} : memref<2x2x128xi32, #tpu.memory_space<vmem>>, vector<1x1x16xi32>,
    %add3A_321 = arith.constant 128 : i32
    %add3A_322 = arith.addi %mul3A_144, %add3A_321 : i32
    %add3A_323 = arith.constant 0 : i32
    %add3A_324 = arith.addi %add3A_322, %add3A_323 : i32
    %mul3A_325 = arith.constant 200 : i32
    %mul3A_326 = arith.muli %add3A_324, %mul3A_325 : i32
    %add3A_327 = arith.addi %mul3A_326, %select_n3A_128 : i32
    %add3A_328 = vector.broadcast %add3A_327 : i32 to vector<16xi32>
    %add3A_329 = arith.addi %mul3A_185, %add3A_328 : vector<16xi32>
    %swap3A_330 = arith.constant 0 : i32
    %swap3A_331 = arith.constant 1 : i32
    %swap3A_332 = arith.index_cast %swap3A_330 : i32 to index
    %swap3A_333 = arith.index_cast %swap3A_331 : i32 to index
    %swap3A_334 = arith.constant 0 : index
    %swap3A_335 = tpu.vector_load %arg9[%swap3A_332, %swap3A_333, %swap3A_334] {strides = array<i32>} : memref<2x2x128xi32, #tpu.memory_space<vmem>>, vector<1x1x16xi32>,
    %swap3A_336 = vector.shape_cast %swap3A_335 : vector<1x1x16xi32> to vector<16xi32>
    %swap3A_337 = vector.shape_cast %add3A_329 : vector<16xi32> to vector<1x1x16xi32>
    tpu.vector_store %arg9[%swap3A_332, %swap3A_333, %swap3A_334], %swap3A_337 {strides = array<i32>} : memref<2x2x128xi32, #tpu.memory_space<vmem>>, vector<1x1x16xi32>,
    %add3A_338 = arith.constant 128 : i32
    %add3A_339 = arith.addi %mul3A_144, %add3A_338 : i32
    %add3A_340 = arith.constant 16 : i32
    %add3A_341 = arith.addi %add3A_339, %add3A_340 : i32
    %mul3A_342 = arith.constant 200 : i32
    %mul3A_343 = arith.muli %add3A_341, %mul3A_342 : i32
    %add3A_344 = arith.addi %mul3A_343, %select_n3A_128 : i32
    %add3A_345 = vector.broadcast %add3A_344 : i32 to vector<16xi32>
    %add3A_346 = arith.addi %mul3A_185, %add3A_345 : vector<16xi32>
    %swap3A_347 = arith.constant 0 : i32
    %swap3A_348 = arith.constant 1 : i32
    %swap3A_349 = arith.index_cast %swap3A_347 : i32 to index
    %swap3A_350 = arith.index_cast %swap3A_348 : i32 to index
    %swap3A_351 = arith.constant 16 : index
    %swap3A_352 = tpu.vector_load %arg9[%swap3A_349, %swap3A_350, %swap3A_351] {strides = array<i32>} : memref<2x2x128xi32, #tpu.memory_space<vmem>>, vector<1x1x16xi32>,
    %swap3A_353 = vector.shape_cast %swap3A_352 : vector<1x1x16xi32> to vector<16xi32>
    %swap3A_354 = vector.shape_cast %add3A_346 : vector<16xi32> to vector<1x1x16xi32>
    tpu.vector_store %arg9[%swap3A_349, %swap3A_350, %swap3A_351], %swap3A_354 {strides = array<i32>} : memref<2x2x128xi32, #tpu.memory_space<vmem>>, vector<1x1x16xi32>,
    %add3A_355 = arith.constant 128 : i32
    %add3A_356 = arith.addi %mul3A_144, %add3A_355 : i32
    %add3A_357 = arith.constant 32 : i32
    %add3A_358 = arith.addi %add3A_356, %add3A_357 : i32
    %mul3A_359 = arith.constant 200 : i32
    %mul3A_360 = arith.muli %add3A_358, %mul3A_359 : i32
    %add3A_361 = arith.addi %mul3A_360, %select_n3A_128 : i32
    %add3A_362 = vector.broadcast %add3A_361 : i32 to vector<16xi32>
    %add3A_363 = arith.addi %mul3A_185, %add3A_362 : vector<16xi32>
    %swap3A_364 = arith.constant 0 : i32
    %swap3A_365 = arith.constant 1 : i32
    %swap3A_366 = arith.index_cast %swap3A_364 : i32 to index
    %swap3A_367 = arith.index_cast %swap3A_365 : i32 to index
    %swap3A_368 = arith.constant 32 : index
    %swap3A_369 = tpu.vector_load %arg9[%swap3A_366, %swap3A_367, %swap3A_368] {strides = array<i32>} : memref<2x2x128xi32, #tpu.memory_space<vmem>>, vector<1x1x16xi32>,
    %swap3A_370 = vector.shape_cast %swap3A_369 : vector<1x1x16xi32> to vector<16xi32>
    %swap3A_371 = vector.shape_cast %add3A_363 : vector<16xi32> to vector<1x1x16xi32>
    tpu.vector_store %arg9[%swap3A_366, %swap3A_367, %swap3A_368], %swap3A_371 {strides = array<i32>} : memref<2x2x128xi32, #tpu.memory_space<vmem>>, vector<1x1x16xi32>,
    %add3A_372 = arith.constant 128 : i32
    %add3A_373 = arith.addi %mul3A_144, %add3A_372 : i32
    %add3A_374 = arith.constant 48 : i32
    %add3A_375 = arith.addi %add3A_373, %add3A_374 : i32
    %mul3A_376 = arith.constant 200 : i32
    %mul3A_377 = arith.muli %add3A_375, %mul3A_376 : i32
    %add3A_378 = arith.addi %mul3A_377, %select_n3A_128 : i32
    %add3A_379 = vector.broadcast %add3A_378 : i32 to vector<16xi32>
    %add3A_380 = arith.addi %mul3A_185, %add3A_379 : vector<16xi32>
    %swap3A_381 = arith.constant 0 : i32
    %swap3A_382 = arith.constant 1 : i32
    %swap3A_383 = arith.index_cast %swap3A_381 : i32 to index
    %swap3A_384 = arith.index_cast %swap3A_382 : i32 to index
    %swap3A_385 = arith.constant 48 : index
    %swap3A_386 = tpu.vector_load %arg9[%swap3A_383, %swap3A_384, %swap3A_385] {strides = array<i32>} : memref<2x2x128xi32, #tpu.memory_space<vmem>>, vector<1x1x16xi32>,
    %swap3A_387 = vector.shape_cast %swap3A_386 : vector<1x1x16xi32> to vector<16xi32>
    %swap3A_388 = vector.shape_cast %add3A_380 : vector<16xi32> to vector<1x1x16xi32>
    tpu.vector_store %arg9[%swap3A_383, %swap3A_384, %swap3A_385], %swap3A_388 {strides = array<i32>} : memref<2x2x128xi32, #tpu.memory_space<vmem>>, vector<1x1x16xi32>,
    %add3A_389 = arith.constant 128 : i32
    %add3A_390 = arith.addi %mul3A_144, %add3A_389 : i32
    %add3A_391 = arith.constant 64 : i32
    %add3A_392 = arith.addi %add3A_390, %add3A_391 : i32
    %mul3A_393 = arith.constant 200 : i32
    %mul3A_394 = arith.muli %add3A_392, %mul3A_393 : i32
    %add3A_395 = arith.addi %mul3A_394, %select_n3A_128 : i32
    %add3A_396 = vector.broadcast %add3A_395 : i32 to vector<16xi32>
    %add3A_397 = arith.addi %mul3A_185, %add3A_396 : vector<16xi32>
    %swap3A_398 = arith.constant 0 : i32
    %swap3A_399 = arith.constant 1 : i32
    %swap3A_400 = arith.index_cast %swap3A_398 : i32 to index
    %swap3A_401 = arith.index_cast %swap3A_399 : i32 to index
    %swap3A_402 = arith.constant 64 : index
    %swap3A_403 = tpu.vector_load %arg9[%swap3A_400, %swap3A_401, %swap3A_402] {strides = array<i32>} : memref<2x2x128xi32, #tpu.memory_space<vmem>>, vector<1x1x16xi32>,
    %swap3A_404 = vector.shape_cast %swap3A_403 : vector<1x1x16xi32> to vector<16xi32>
    %swap3A_405 = vector.shape_cast %add3A_397 : vector<16xi32> to vector<1x1x16xi32>
    tpu.vector_store %arg9[%swap3A_400, %swap3A_401, %swap3A_402], %swap3A_405 {strides = array<i32>} : memref<2x2x128xi32, #tpu.memory_space<vmem>>, vector<1x1x16xi32>,
    %add3A_406 = arith.constant 128 : i32
    %add3A_407 = arith.addi %mul3A_144, %add3A_406 : i32
    %add3A_408 = arith.constant 80 : i32
    %add3A_409 = arith.addi %add3A_407, %add3A_408 : i32
    %mul3A_410 = arith.constant 200 : i32
    %mul3A_411 = arith.muli %add3A_409, %mul3A_410 : i32
    %add3A_412 = arith.addi %mul3A_411, %select_n3A_128 : i32
    %add3A_413 = vector.broadcast %add3A_412 : i32 to vector<16xi32>
    %add3A_414 = arith.addi %mul3A_185, %add3A_413 : vector<16xi32>
    %swap3A_415 = arith.constant 0 : i32
    %swap3A_416 = arith.constant 1 : i32
    %swap3A_417 = arith.index_cast %swap3A_415 : i32 to index
    %swap3A_418 = arith.index_cast %swap3A_416 : i32 to index
    %swap3A_419 = arith.constant 80 : index
    %swap3A_420 = tpu.vector_load %arg9[%swap3A_417, %swap3A_418, %swap3A_419] {strides = array<i32>} : memref<2x2x128xi32, #tpu.memory_space<vmem>>, vector<1x1x16xi32>,
    %swap3A_421 = vector.shape_cast %swap3A_420 : vector<1x1x16xi32> to vector<16xi32>
    %swap3A_422 = vector.shape_cast %add3A_414 : vector<16xi32> to vector<1x1x16xi32>
    tpu.vector_store %arg9[%swap3A_417, %swap3A_418, %swap3A_419], %swap3A_422 {strides = array<i32>} : memref<2x2x128xi32, #tpu.memory_space<vmem>>, vector<1x1x16xi32>,
    %add3A_423 = arith.constant 128 : i32
    %add3A_424 = arith.addi %mul3A_144, %add3A_423 : i32
    %add3A_425 = arith.constant 96 : i32
    %add3A_426 = arith.addi %add3A_424, %add3A_425 : i32
    %mul3A_427 = arith.constant 200 : i32
    %mul3A_428 = arith.muli %add3A_426, %mul3A_427 : i32
    %add3A_429 = arith.addi %mul3A_428, %select_n3A_128 : i32
    %add3A_430 = vector.broadcast %add3A_429 : i32 to vector<16xi32>
    %add3A_431 = arith.addi %mul3A_185, %add3A_430 : vector<16xi32>
    %swap3A_432 = arith.constant 0 : i32
    %swap3A_433 = arith.constant 1 : i32
    %swap3A_434 = arith.index_cast %swap3A_432 : i32 to index
    %swap3A_435 = arith.index_cast %swap3A_433 : i32 to index
    %swap3A_436 = arith.constant 96 : index
    %swap3A_437 = tpu.vector_load %arg9[%swap3A_434, %swap3A_435, %swap3A_436] {strides = array<i32>} : memref<2x2x128xi32, #tpu.memory_space<vmem>>, vector<1x1x16xi32>,
    %swap3A_438 = vector.shape_cast %swap3A_437 : vector<1x1x16xi32> to vector<16xi32>
    %swap3A_439 = vector.shape_cast %add3A_431 : vector<16xi32> to vector<1x1x16xi32>
    tpu.vector_store %arg9[%swap3A_434, %swap3A_435, %swap3A_436], %swap3A_439 {strides = array<i32>} : memref<2x2x128xi32, #tpu.memory_space<vmem>>, vector<1x1x16xi32>,
    %add3A_440 = arith.constant 128 : i32
    %add3A_441 = arith.addi %mul3A_144, %add3A_440 : i32
    %add3A_442 = arith.constant 112 : i32
    %add3A_443 = arith.addi %add3A_441, %add3A_442 : i32
    %mul3A_444 = arith.constant 200 : i32
    %mul3A_445 = arith.muli %add3A_443, %mul3A_444 : i32
    %add3A_446 = arith.addi %mul3A_445, %select_n3A_128 : i32
    %add3A_447 = vector.broadcast %add3A_446 : i32 to vector<16xi32>
    %add3A_448 = arith.addi %mul3A_185, %add3A_447 : vector<16xi32>
    %swap3A_449 = arith.constant 0 : i32
    %swap3A_450 = arith.constant 1 : i32
    %swap3A_451 = arith.index_cast %swap3A_449 : i32 to index
    %swap3A_452 = arith.index_cast %swap3A_450 : i32 to index
    %swap3A_453 = arith.constant 112 : index
    %swap3A_454 = tpu.vector_load %arg9[%swap3A_451, %swap3A_452, %swap3A_453] {strides = array<i32>} : memref<2x2x128xi32, #tpu.memory_space<vmem>>, vector<1x1x16xi32>,
    %swap3A_455 = vector.shape_cast %swap3A_454 : vector<1x1x16xi32> to vector<16xi32>
    %swap3A_456 = vector.shape_cast %add3A_448 : vector<16xi32> to vector<1x1x16xi32>
    tpu.vector_store %arg9[%swap3A_451, %swap3A_452, %swap3A_453], %swap3A_456 {strides = array<i32>} : memref<2x2x128xi32, #tpu.memory_space<vmem>>, vector<1x1x16xi32>,
    %dma_start3A_457 = arith.constant 0 : i32
    %dma_start3A_458 = arith.constant 0 : i32
    %dma_start3A_459 = arith.constant 0 : i32
    %dma_start3A_460 = arith.constant 0 : i32
    %dma_start3A_461 = arith.constant 0 : i32
    %dma_start3A_462 = tpu.memref_slice %arg8[%dma_start3A_457, %dma_start3A_460, %dma_start3A_461] : memref<2x256x128xf32, #tpu.memory_space<vmem>> -> memref<1x128x128xf32, #tpu.memory_space<vmem>>
    %dma_start3A_463 = tpu.memref_squeeze %dma_start3A_462 : memref<1x128x128xf32, #tpu.memory_space<vmem>> -> memref<128x128xf32, #tpu.memory_space<vmem>>
    %dma_start3A_464 = arith.constant 0 : i32
    %dma_start3A_465 = tpu.memref_slice %arg9[%dma_start3A_458, %dma_start3A_459, %dma_start3A_464] : memref<2x2x128xi32, #tpu.memory_space<vmem>> -> memref<1x1x128xi32, #tpu.memory_space<vmem>>
    %dma_start3A_466 = tpu.memref_squeeze %dma_start3A_465 : memref<1x1x128xi32, #tpu.memory_space<vmem>> -> memref<128xi32, #tpu.memory_space<vmem>>
    %dma_start3A_467 = arith.constant 0 : i32
    %dma_start3A_468 = arith.constant 0 : i32
    %dma_start3A_469 = tpu.memref_slice %arg5[%dma_start3A_467, %dma_start3A_468] : memref<204800x128xf32, #tpu.memory_space<hbm>> -> memref<204800x128xf32, #tpu.memory_space<hbm>>
    tpu.enqueue_indirect_dma source(%dma_start3A_463 : memref<128x128xf32, #tpu.memory_space<vmem>>) target(%dma_start3A_469 : memref<204800x128xf32, #tpu.memory_space<hbm>>) offsets(%dma_start3A_466 : memref<128xi32, #tpu.memory_space<vmem>>) semaphore(%arg13 : memref<!tpu.dma_semaphore, #tpu.memory_space<semaphore_mem>>)
    %dma_start3A_470 = arith.constant 0 : i32
    %dma_start3A_471 = arith.constant 0 : i32
    %dma_start3A_472 = arith.constant 1 : i32
    %dma_start3A_473 = arith.constant 128 : i32
    %dma_start3A_474 = arith.constant 0 : i32
    %dma_start3A_475 = tpu.memref_slice %arg8[%dma_start3A_470, %dma_start3A_473, %dma_start3A_474] : memref<2x256x128xf32, #tpu.memory_space<vmem>> -> memref<1x128x128xf32, #tpu.memory_space<vmem>>
    %dma_start3A_476 = tpu.memref_squeeze %dma_start3A_475 : memref<1x128x128xf32, #tpu.memory_space<vmem>> -> memref<128x128xf32, #tpu.memory_space<vmem>>
    %dma_start3A_477 = arith.constant 0 : i32
    %dma_start3A_478 = tpu.memref_slice %arg9[%dma_start3A_471, %dma_start3A_472, %dma_start3A_477] : memref<2x2x128xi32, #tpu.memory_space<vmem>> -> memref<1x1x128xi32, #tpu.memory_space<vmem>>
    %dma_start3A_479 = tpu.memref_squeeze %dma_start3A_478 : memref<1x1x128xi32, #tpu.memory_space<vmem>> -> memref<128xi32, #tpu.memory_space<vmem>>
    %dma_start3A_480 = arith.constant 0 : i32
    %dma_start3A_481 = arith.constant 0 : i32
    %dma_start3A_482 = tpu.memref_slice %arg5[%dma_start3A_480, %dma_start3A_481] : memref<204800x128xf32, #tpu.memory_space<hbm>> -> memref<204800x128xf32, #tpu.memory_space<hbm>>
    tpu.enqueue_indirect_dma source(%dma_start3A_476 : memref<128x128xf32, #tpu.memory_space<vmem>>) target(%dma_start3A_482 : memref<204800x128xf32, #tpu.memory_space<hbm>>) offsets(%dma_start3A_479 : memref<128xi32, #tpu.memory_space<vmem>>) semaphore(%arg13 : memref<!tpu.dma_semaphore, #tpu.memory_space<semaphore_mem>>)
    %dma_wait3A_483 = arith.constant 1 : i32
    %dma_wait3A_484 = arith.constant 1 : i32
    %dma_wait3A_485 = arith.constant 0 : i32
    %dma_wait3A_486 = arith.constant 0 : i32
    %dma_wait3A_487 = arith.constant 0 : i32
    %dma_wait3A_488 = tpu.memref_slice %arg8[%dma_wait3A_483, %dma_wait3A_486, %dma_wait3A_487] : memref<2x256x128xf32, #tpu.memory_space<vmem>> -> memref<1x128x128xf32, #tpu.memory_space<vmem>>
    %dma_wait3A_489 = tpu.memref_squeeze %dma_wait3A_488 : memref<1x128x128xf32, #tpu.memory_space<vmem>> -> memref<128x128xf32, #tpu.memory_space<vmem>>
    %dma_wait3A_490 = arith.constant 0 : i32
    %dma_wait3A_491 = tpu.memref_slice %arg9[%dma_wait3A_484, %dma_wait3A_485, %dma_wait3A_490] : memref<2x2x128xi32, #tpu.memory_space<vmem>> -> memref<1x1x128xi32, #tpu.memory_space<vmem>>
    %dma_wait3A_492 = tpu.memref_squeeze %dma_wait3A_491 : memref<1x1x128xi32, #tpu.memory_space<vmem>> -> memref<128xi32, #tpu.memory_space<vmem>>
    %dma_wait3A_493 = arith.constant 0 : i32
    %dma_wait3A_494 = arith.constant 0 : i32
    %dma_wait3A_495 = tpu.memref_slice %arg5[%dma_wait3A_493, %dma_wait3A_494] : memref<204800x128xf32, #tpu.memory_space<hbm>> -> memref<204800x128xf32, #tpu.memory_space<hbm>>
    tpu.wait_indirect_dma semaphore(%arg14 : memref<!tpu.dma_semaphore, #tpu.memory_space<semaphore_mem>>) src(%dma_wait3A_489 : memref<128x128xf32, #tpu.memory_space<vmem>>) dst(%dma_wait3A_495 : memref<204800x128xf32, #tpu.memory_space<hbm>>)
    %dma_wait3A_496 = arith.constant 1 : i32
    %dma_wait3A_497 = arith.constant 1 : i32
    %dma_wait3A_498 = arith.constant 1 : i32
    %dma_wait3A_499 = arith.constant 128 : i32
    %dma_wait3A_500 = arith.constant 0 : i32
    %dma_wait3A_501 = tpu.memref_slice %arg8[%dma_wait3A_496, %dma_wait3A_499, %dma_wait3A_500] : memref<2x256x128xf32, #tpu.memory_space<vmem>> -> memref<1x128x128xf32, #tpu.memory_space<vmem>>
    %dma_wait3A_502 = tpu.memref_squeeze %dma_wait3A_501 : memref<1x128x128xf32, #tpu.memory_space<vmem>> -> memref<128x128xf32, #tpu.memory_space<vmem>>
    %dma_wait3A_503 = arith.constant 0 : i32
    %dma_wait3A_504 = tpu.memref_slice %arg9[%dma_wait3A_497, %dma_wait3A_498, %dma_wait3A_503] : memref<2x2x128xi32, #tpu.memory_space<vmem>> -> memref<1x1x128xi32, #tpu.memory_space<vmem>>
    %dma_wait3A_505 = tpu.memref_squeeze %dma_wait3A_504 : memref<1x1x128xi32, #tpu.memory_space<vmem>> -> memref<128xi32, #tpu.memory_space<vmem>>
    %dma_wait3A_506 = arith.constant 0 : i32
    %dma_wait3A_507 = arith.constant 0 : i32
    %dma_wait3A_508 = tpu.memref_slice %arg5[%dma_wait3A_506, %dma_wait3A_507] : memref<204800x128xf32, #tpu.memory_space<hbm>> -> memref<204800x128xf32, #tpu.memory_space<hbm>>
    tpu.wait_indirect_dma semaphore(%arg14 : memref<!tpu.dma_semaphore, #tpu.memory_space<semaphore_mem>>) src(%dma_wait3A_502 : memref<128x128xf32, #tpu.memory_space<vmem>>) dst(%dma_wait3A_508 : memref<204800x128xf32, #tpu.memory_space<hbm>>)
    %dma_wait3A_509 = arith.constant 0 : i32
    %dma_wait3A_510 = arith.constant 0 : i32
    %dma_wait3A_511 = arith.constant 0 : i32
    %dma_wait3A_512 = arith.constant 0 : i32
    %dma_wait3A_513 = arith.constant 0 : i32
    %dma_wait3A_514 = tpu.memref_slice %arg8[%dma_wait3A_509, %dma_wait3A_512, %dma_wait3A_513] : memref<2x256x128xf32, #tpu.memory_space<vmem>> -> memref<1x128x128xf32, #tpu.memory_space<vmem>>
    %dma_wait3A_515 = tpu.memref_squeeze %dma_wait3A_514 : memref<1x128x128xf32, #tpu.memory_space<vmem>> -> memref<128x128xf32, #tpu.memory_space<vmem>>
    %dma_wait3A_516 = arith.constant 0 : i32
    %dma_wait3A_517 = tpu.memref_slice %arg9[%dma_wait3A_510, %dma_wait3A_511, %dma_wait3A_516] : memref<2x2x128xi32, #tpu.memory_space<vmem>> -> memref<1x1x128xi32, #tpu.memory_space<vmem>>
    %dma_wait3A_518 = tpu.memref_squeeze %dma_wait3A_517 : memref<1x1x128xi32, #tpu.memory_space<vmem>> -> memref<128xi32, #tpu.memory_space<vmem>>
    %dma_wait3A_519 = arith.constant 0 : i32
    %dma_wait3A_520 = arith.constant 0 : i32
    %dma_wait3A_521 = tpu.memref_slice %arg5[%dma_wait3A_519, %dma_wait3A_520] : memref<204800x128xf32, #tpu.memory_space<hbm>> -> memref<204800x128xf32, #tpu.memory_space<hbm>>
    tpu.wait_indirect_dma semaphore(%arg13 : memref<!tpu.dma_semaphore, #tpu.memory_space<semaphore_mem>>) src(%dma_wait3A_515 : memref<128x128xf32, #tpu.memory_space<vmem>>) dst(%dma_wait3A_521 : memref<204800x128xf32, #tpu.memory_space<hbm>>)
    %dma_wait3A_522 = arith.constant 0 : i32
    %dma_wait3A_523 = arith.constant 0 : i32
    %dma_wait3A_524 = arith.constant 1 : i32
    %dma_wait3A_525 = arith.constant 128 : i32
    %dma_wait3A_526 = arith.constant 0 : i32
    %dma_wait3A_527 = tpu.memref_slice %arg8[%dma_wait3A_522, %dma_wait3A_525, %dma_wait3A_526] : memref<2x256x128xf32, #tpu.memory_space<vmem>> -> memref<1x128x128xf32, #tpu.memory_space<vmem>>
    %dma_wait3A_528 = tpu.memref_squeeze %dma_wait3A_527 : memref<1x128x128xf32, #tpu.memory_space<vmem>> -> memref<128x128xf32, #tpu.memory_space<vmem>>
    %dma_wait3A_529 = arith.constant 0 : i32
    %dma_wait3A_530 = tpu.memref_slice %arg9[%dma_wait3A_523, %dma_wait3A_524, %dma_wait3A_529] : memref<2x2x128xi32, #tpu.memory_space<vmem>> -> memref<1x1x128xi32, #tpu.memory_space<vmem>>
    %dma_wait3A_531 = tpu.memref_squeeze %dma_wait3A_530 : memref<1x1x128xi32, #tpu.memory_space<vmem>> -> memref<128xi32, #tpu.memory_space<vmem>>
    %dma_wait3A_532 = arith.constant 0 : i32
    %dma_wait3A_533 = arith.constant 0 : i32
    %dma_wait3A_534 = tpu.memref_slice %arg5[%dma_wait3A_532, %dma_wait3A_533] : memref<204800x128xf32, #tpu.memory_space<hbm>> -> memref<204800x128xf32, #tpu.memory_space<hbm>>
    tpu.wait_indirect_dma semaphore(%arg13 : memref<!tpu.dma_semaphore, #tpu.memory_space<semaphore_mem>>) src(%dma_wait3A_528 : memref<128x128xf32, #tpu.memory_space<vmem>>) dst(%dma_wait3A_534 : memref<204800x128xf32, #tpu.memory_space<hbm>>)
    return
  }
}

</mosaic_0001>

<sc_bundles>
// kernel: kernel.3.cloned.1.call-start
scs
__scs_entry_jumppad:
0x0: {  	(pc) =	sbr.rel $0x88, $3  }
0x1: {  	(tag) =	ssettag $0x0;
	lr =	simm.s32 $0x1  }
0x2: {  	[smem:$0x3F9E] =	sst lr;
	_ =	strace $0xD0000000  }
0x3: {  	_ = 	snop  }
0x4: {  	_ = 	snop  }
0x5: {  	_ = 	snop  }
0x6: {  	_ = 	snop  }
0x7: {  	_ = 	snop  }
__scs_overlays_trampoline_lowered:
0x8: {  	[smem:$0x3FAD] =	sst s0  }
0x9: {  	[smem:$0x3FAE] =	sst s1  }
0xa: {  	[smem:$0x3FAF] =	sst s2  }
0xb: {  	[smem:$0x3FB0] =	sst s3  }
0xc: {  	[smem:$0x3FB1] =	sst s4  }
0xd: {  	[smem:$0x3FB2] =	sst s5  }
0xe: {  	[smem:$0x3FB3] =	sst s6  }
0xf: {  	[smem:$0x3FB4] =	sst s7  }
0x10: {  	[smem:$0x3FB5] =	sst s8  }
0x11: {  	[smem:$0x3FB6] =	sst s9;
	s0 =	simm.s32 @!p0 $0x0  }
0x12: {  	s1 =	sld [smem:$0x3F9C];
	s0 =	simm.s32 @p0 $0x1  }
0x13: {  	[smem:$0x3FB7] =	sst s0;
	s0 =	simm.s32 @!p1 $0x0  }
0x14: {  	s2 =	sld [smem:$0x3F9B];
	s0 =	simm.s32 @p1 $0x1  }
0x15: {  	[smem:$0x3FB8] =	sst s0;
	s0 =	simm.s32 @!p2 $0x0  }
0x16: {  	s3 =	sld [smem:$0x3FDB];
	s0 =	simm.s32 @p2 $0x1  }
0x17: {  	s4 =	simm.s32 $0x1BF5;
	[smem:$0x3FBA] =	sst s0  }
0x18: {  	s0 =	sld [smem:$0x3F9D];
	_ =	swait.ge [sflag:s4], $0x0  }
0x19: {  	s7 =	sld [smem:$0x3F9E]  }
0x1a: {  	s8 =	sadd.s32 $0xFFFFE003, lr  }
0x1b: {  	s9 =	sadd.s32 $0xFFFFFEF7, lr;
	s5 =	simm.s32 $0xFFFFFFFF;
	p2 =	slt.u32 s8, $0xFFFFF086  }
0x1c: {  	p1 =	slt.u32 s9, $0xF7A;
	s5 =	simm.s32 @!p2 $0x0  }
0x1d: {  	s5 =	simm.s32 @p1 $0x1;
	p0 =	seq.s32 s7, s2  }
0x1e: {  	s7 =	smul.u32 @!p0 $0xF7A, s2;
	p2 =	seq.s32 @!p0 s5, $0x0  }
0x1f: {  	s9 =	smul.u32 $0xF7A, s1;
	s8 =	simm.s32 @!p0 $0x1BF5;
	p2 =	por !p2, p0  }
0x20: {  	[sflag:s8] =	ssyncset.s32 @!p0 $0xFFFFF086;
	s6 =	sadd.s32 @!p0 s3, s7;
	s7 =	simm.s32 @!p0 $0x108  }
0x21: {  	s3 =	sadd.s32 s3, s9;
	s6 =	sadd.s32 @!p0 $0x88, s6;
	s7 =	simm.s32 @p2 $0x1082  }
0x22: {  	[simem:s7], [sflag:s8] =	dma.local @!p0 [hbm:s6], $0xF7A  }
0x23: {  	s9 =	sor.u32 $0xD0000000, s2;
	s6 =	simm.s32 $0x108;
	_ =	swait.ge @!p0 [sflag:s8], $0x0  }
0x24: {  	s3 =	sadd.s32 $0x88, s3;
	s6 =	simm.s32 @!p1 $0x1082;
	[sflag:s4] =	ssyncset.s32 $0xFFFFF086  }
0x25: {  	[simem:s6], [sflag:s4] =	dma.local [hbm:s3], $0xF7A  }
0x26: {  	[smem:$0x3F9E] =	sst s1;
	(tag) =	ssettag s2;
	_ =	strace s9  }
0x27: {  	s1 =	sld [smem:$0x3FAE]  }
0x28: {  	s2 =	sld [smem:$0x3FAF]  }
0x29: {  	s4 =	sld [smem:$0x3FB1]  }
0x2a: {  	p0 =	seq.s32 s5, $0x0;
	s5 =	sld [smem:$0x3FB2]  }
0x2b: {  	s6 =	sld [smem:$0x3FB3]  }
0x2c: {  	s7 =	sld [smem:$0x3FB4]  }
0x2d: {  	s3 =	simm.s32 $0x108;
	s8 =	sld [smem:$0x3FB5]  }
0x2e: {  	s3 =	simm.s32 @!p0 $0x1082;
	s9 =	sld [smem:$0x3FB6]  }
0x2f: {  	lr =	sadd.s32 s0, s3;
	s0 =	sld [smem:$0x3FAD]  }
0x30: {  	s3 =	sld [smem:$0x3FB0]  }
0x31: {  	[smem:$0x3FB9] =	sst s10  }
0x32: {  	s10 =	sld [smem:$0x3FB7];
	_ =	sdelay $0x3  }
0x33: {  	p0 =	seq.s32 s10, $0x1;
	s10 =	sld [smem:$0x3FB9];
	_ =	sdelay $0x3  }
0x34: {  	[smem:$0x3FB9] =	sst s10  }
0x35: {  	s10 =	sld [smem:$0x3FB8];
	_ =	sdelay $0x3  }
0x36: {  	p1 =	seq.s32 s10, $0x1;
	s10 =	sld [smem:$0x3FB9];
	_ =	sdelay $0x3  }
0x37: {  	[smem:$0x3FB9] =	sst s10  }
0x38: {  	s10 =	sld [smem:$0x3FBA]  }
0x39: {  	_ = 	snop;
	(pc) =	sbr.ind lr, $3  }
0x3a: {  	_ = 	snop  }
0x3b: {  	_ = 	snop  }
0x3c: {  	p2 =	seq.s32 s10, $0x1;
	s10 =	sld [smem:$0x3FB9]  }
0x3d: {  	_ =	shalt  }
0x3e: {  	_ =	shalt  }
0x3f: {  	_ =	shalt  }
0x40: {  	_ =	shalt  }
0x41: {  	_ =	shalt  }
0x42: {  	_ =	shalt  }
0x43: {  	_ =	shalt  }
0x44: {  	_ =	shalt  }
0x45: {  	_ =	shalt  }
0x46: {  	_ =	shalt  }
0x47: {  	_ =	shalt  }
0x48: {  	_ =	shalt  }
0x49: {  	_ =	shalt  }
0x4a: {  	_ =	shalt  }
0x4b: {  	_ =	shalt  }
0x4c: {  	_ =	shalt  }
0x4d: {  	_ =	shalt  }
0x4e: {  	_ =	shalt  }
0x4f: {  	_ =	shalt  }
0x50: {  	_ =	shalt  }
0x51: {  	_ =	shalt  }
0x52: {  	_ =	shalt  }
0x53: {  	_ =	shalt  }
0x54: {  	_ =	shalt  }
0x55: {  	_ =	shalt  }
0x56: {  	_ =	shalt  }
0x57: {  	_ =	shalt  }
0x58: {  	_ =	shalt  }
0x59: {  	_ =	shalt  }
0x5a: {  	_ =	shalt  }
0x5b: {  	_ =	shalt  }
0x5c: {  	_ =	shalt  }
0x5d: {  	_ =	shalt  }
0x5e: {  	_ =	shalt  }
0x5f: {  	_ =	shalt  }
0x60: {  	_ =	shalt  }
0x61: {  	_ =	shalt  }
0x62: {  	_ =	shalt  }
0x63: {  	_ =	shalt  }
0x64: {  	_ =	shalt  }
0x65: {  	_ =	shalt  }
0x66: {  	_ =	shalt  }
0x67: {  	_ =	shalt  }
0x68: {  	_ =	shalt  }
0x69: {  	_ =	shalt  }
0x6a: {  	_ =	shalt  }
0x6b: {  	_ =	shalt  }
0x6c: {  	_ =	shalt  }
0x6d: {  	_ =	shalt  }
0x6e: {  	_ =	shalt  }
0x6f: {  	_ =	shalt  }
0x70: {  	_ =	shalt  }
0x71: {  	_ =	shalt  }
0x72: {  	_ =	shalt  }
0x73: {  	_ =	shalt  }
0x74: {  	_ =	shalt  }
0x75: {  	_ =	shalt  }
0x76: {  	_ =	shalt  }
0x77: {  	_ =	shalt  }
0x78: {  	_ =	shalt  }
0x79: {  	_ =	shalt  }
0x7a: {  	_ =	shalt  }
0x7b: {  	_ =	shalt  }
0x7c: {  	_ =	shalt  }
0x7d: {  	_ =	shalt  }
0x7e: {  	_ =	shalt  }
0x7f: {  	_ =	shalt  }
0x80: {  	_ =	shalt  }
0x81: {  	_ =	shalt  }
0x82: {  	_ =	shalt  }
0x83: {  	_ =	shalt  }
0x84: {  	_ =	shalt  }
0x85: {  	_ =	shalt  }
0x86: {  	_ =	shalt  }
0x87: {  	_ =	shalt  }
.Lfunc_end0:
.L_simem_size_0:
called_computation_lowered:
.L_overlay_start_0:
0x88: {  	s2 =	sld [smem:$0x3FD9]  }
0x89: {  	s3 =	sld [smem:$0x3FFE];
	_ =	sdelay $0x1  }
0x8a: {  	s1 =	srdreg.scid  }
0x8b: {  	s0 =	sand.u32 $0x1, s1  }
0x8c: {  	s17 =	sshll.u32 s0, $0xA;
	s2 =	sadd.s32 s3, s2  }
0x8d: {  	s2 =	sadd.s32 s2, s17  }
0x8e: {  	[smem:$0x3FC5] =	sst s2  }
0x8f: {  	_ = 	snop  }
0x90: {  	s2 =	sld [smem:$0x3FC8]  }
0x91: {  	s18 =	sld [smem:$0x3FC7]  }
0x92: {  	s4 =	sld [smem:$0x3FD0];
	(tm) =	ssettm $0x1  }
0x93: {  	s5 =	sld [smem:$0x3FFB];
	_ =	sdelay $0x3  }
0x94: {  	_ =	strace s5  }
0x95: {  	s5 =	sld [smem:$0x3FFC];
	_ =	sdelay $0x3  }
0x96: {  	_ =	strace s5  }
0x97: {  	s5 =	sld [smem:$0x3FFD];
	_ =	sdelay $0x3  }
0x98: {  	_ =	strace s5  }
0x99: {  	_ =	strace $0x8FFFFFFF  }
0x9a: {  	s19 =	sld [smem:$0x3FDB];
	_ =	sdelay $0x1  }
0x9b: {  	s6 =	simm.s32 $_scs_section_size  }
0x9c: {  	s7 =	simm.s32 $_size__tile_overlayer_lowered;
	s8 =	simm.s32 $_tile_overlayer_lowered  }
0x9d: {  	s22 =	simm.s32 $0x1BFF;
	s21 =	sshll.u32 s8, $0x1;
	s5 =	sadd.s32 s6, s19  }
0x9e: {  	s9 =	simm.s32 $0x0;
	s20 =	sshll.u32 s7, $0x1;
	s7 =	sadd.s32 s21, s5  }
0x9f: {  	[timem:s9], [sflag:s22] =	dma.local [hbm:s7], s20  }
0xa0: {  	_ =	swait.ge [sflag:s22], s20  }
0xa1: {  	s6 =	ssub.s32 $0x0, s20;
	[sflag:s22] =	ssyncset.done $0x0  }
0xa2: {  	[sflag:s22] =	ssyncadd.s32 s6;
	_ =	sdelay $0x1  }
0xa3: {  	s23 =	simm.s32 $0x1B8B  }
0xa4: {  	_ =	swait.ge [sflag:s23], $0x1  }
0xa5: {  	[sflag:s23] =	ssyncset.done $0x0  }
0xa6: {  	s25 =	simm.s32 $0x1B8E;
	s24 =	sld [smem:$0x3FFE];
	[sflag:s23] =	ssyncadd.s32 $0xFFFFFFFF  }
0xa7: {  	s26 =	simm.s32 $execute0_lowered;
	[smem:$0x3FD2] =	sst s25  }
0xa8: {  	s7 =	sshll.u32 s26, $0x1;
	_ =	strace $0x80000046;
	[dreg:$0x1] =	wrdreg $0xFFFFFFFF  }
0xa9: {  	s28 =	simm.s32 $_size_execute0_lowered;
	s5 =	sadd.s32 s5, s7;
	[dreg:$0x0] =	wrdreg $0x0  }
0xaa: {  	s7 =	sshll.u32 s28, $0x1;
	[dreg:$0x2] =	wrdreg s5  }
0xab: {  	[dreg:$0x3] =	wrdreg s7  }
0xac: {  	[dreg:$0x4] =	wrdreg $0xC0  }
0xad: {  	_ =	task [dreg:s9], $0x5FFFF  }
0xae: {  	[dreg:$0x1] =	wrdreg $0xFFFFFFFF  }
0xaf: {  	[dreg:$0x0] =	wrdreg $0x60  }
0xb0: {  	[dreg:$0x2] =	wrdreg s24  }
0xb1: {  	[dreg:$0x3] =	wrdreg s2  }
0xb2: {  	[dreg:$0x4] =	wrdreg s18  }
0xb3: {  	[dreg:$0x5] =	wrdreg s4  }
0xb4: {  	[dreg:$0x6] =	wrdreg $0x9  }
0xb5: {  	_ =	task.clear_ibuf [dreg:s9], $0x7FFFF;
	_ =	strace $0x90000046  }
0xb6: {  	s29 =	simm.s32 $0x9;
	_ =	strace $0x80000048  }
0xb7: {  	_ =	swait.ge [sflag:s29], $0x1  }
0xb8: {  	[sflag:s29] =	ssyncadd.s32 $0xFFFFFFFF  }
0xb9: {  	_ =	strace $0x90000048  }
0xba: {  	_ =	sfence  }
0xbb: {  	s30 =	sld [smem:$0x0];
	_ =	sdelay $0x2  }
0xbc: {  	s31 =	sshll.u32 s1, $0xD;
	s1 =	sshrl.u32 s1, $0x2  }
0xbd: {  	s3 =	sand.u32 $0x4000, s31;
	s1 =	sadd.s32 s1, s30  }
0xbe: {  	s0 =	sor.u32 s3, s0;
	s1 =	sshll.u32 s1, $0x11  }
0xbf: {  	s0 =	sor.u32 s1, s0  }
0xc0: {  	s0 =	sadd.s32 $0x8F2B, s0  }
0xc1: {  	[sflag:s0] =	ssyncadd.remote.s32 $0x1  }
0xc2: {  	_ =	sfence.sel $0xFFFF  }
0xc3: {  	[dreg:$0x0] =	wrdreg $0xFFFFFFFF;
	(pc) =	sbr.abs _section_cstart, $3  }
0xc4: {  	[dreg:$0x1] =	wrdreg $0xFFFFFFFF  }
0xc5: {  	_ =	task.clear_ibuf [dreg:s9], $0x2FFFF;
	_ =	strace $0x9FFFFFFF  }
0xc6: {  	(tm) =	ssettm $0x7FFFFFFF  }
0xc7: {  	_ =	shalt  }
tec
execute0_lowered:
.L_overlay_start_1:
0x0: {  	(tag) =	ssettag $0x1  }
0x1: {  	s0 =	rddreg [dreg:$0x0]  }
0x2: {  	s2 =	srdreg.scid;
	s3 =	stileid.u32  }
0x3: {  	s1 =	rddreg [dreg:$0x1];
	s2 =	sand.u32 $0x1, s2;
	s4 =	sshll.u32 s3, $0x1  }
0x4: {  	s8 =	rddreg [dreg:$0x2];
	s5 =	sor.u32 s2, s4  }
0x5: {  	s14 =	simm.s32 $0x2100;
	s4 =	simm.s32 $0x0;
	s6 =	smul.u32 $0x320, s5  }
0x6: {  	s2 =	ssub.s32 $0x2, s2;
	[smem:$0x7FF] =	sst s4;
	s5 =	smul.u32 $0x19, s5  }
0x7: {  	s3 =	rddreg [dreg:$0x3];
	s26 =	sshrl.u32 s2, $0x1;
	_ =	strace $0x80000047  }
0x8: {  	s2 =	ssub.s32 s2, s26;
	s7 =	sshrl.u32 s5, $0x2;
	s9 =	sand.u32 $0x3, s5  }
0x9: {  	s0 =	sadd.s32 s6, s0;
	s28 =	sand.u32 $0xF8, s7;
	s9 =	smul.u32 $0xC800, s9  }
0xa: {  	s10 =	sadd.s32 $0x6, s7;
	s7 =	sadd.s32 $0x400, s0;
	s6 =	smin.u32 s28, $0xB8  }
0xb: {  	s29 =	sshll.u32 s6, $0x4;
	s11 =	ssub.s32 s10, s6;
	s10 =	sor.u32 s10, s9  }
0xc: {  	s8 =	sadd.s32 s8, s29;
	s30 =	sshll.u32 s11, $0x9;
	s31 =	sadd.s32 $0xC80, s10  }
0xd: {  	s12 =	sadd.s32 $0x1900, s10;
	s13 =	sadd.s32 $0x2580, s10;
	s15 =	sadd.s32 $0x3200, s10  }
0xe: {  	v0 =	vlaneseq.u32;
	s16 =	sadd.s32 $0x3E80, s10;
	s17 =	sadd.s32 $0x4B00, s10;
	s18 =	sadd.s32 $0x5780, s10  }
0xf: {  	v0 =	vmul.u32 $0xC8, v0;
	s19 =	sadd.s32 $0x6400, s10;
	s20 =	sadd.s32 $0x7080, s10;
	s21 =	sadd.s32 $0x7D00, s10  }
0x10: {  	s22 =	sadd.s32 $0x8980, s10;
	s23 =	sadd.s32 $0x9600, s10;
	s24 =	sadd.s32 $0xA280, s10  }
0x11: {  	s25 =	sadd.s32 $0xAF00, s10;
	v1 =	vadd.s32 s10, v0;
	s26 =	sadd.s32 $0xBB80, s10;
	s10 =	smax.u32 s2, $0x1  }
0x12: {  	s9 =	sshra.s32 s30, $0x2;
	v2 =	vadd.s32 s31, v0;
	v3 =	vadd.s32 s12, v0;
	v4 =	vadd.s32 s13, v0;
	s12 =	simm.s32 $0x1;
	s13 =	simm.s32 $0x80  }
0x13: {  	v5 =	vadd.s32 s15, v0;
	v6 =	vadd.s32 s16, v0;
	v7 =	vadd.s32 s17, v0;
	s15 =	simm.s32 $0x6100;
	s16 =	simm.s32 $0xA100;
	s17 =	simm.s32 $0xE100  }
0x14: {  	v8 =	vadd.s32 s18, v0;
	v9 =	vadd.s32 s19, v0;
	v10 =	vadd.s32 s20, v0;
	s18 =	simm.s32 $0x2;
	s19 =	simm.s32 $0x12100;
	s20 =	simm.s32 $0x12180  }
0x15: {  	v11 =	vadd.s32 s21, v0;
	v12 =	vadd.s32 s22, v0;
	v13 =	vadd.s32 s23, v0;
	s21 =	simm.s32 $0x4;
	s22 =	simm.s32 $0x3;
	s23 =	simm.s32 $0x12200  }
0x16: {  	v14 =	vadd.s32 s24, v0;
	v15 =	vadd.s32 s25, v0;
	v16 =	vadd.s32 s26, v0;
	s24 =	simm.s32 $0x12280;
	s25 =	simm.s32 $0x5;
	s26 =	simm.s32 $0x0  }
.LBB2_1:
0x17: {  	[tilespmem:s4], [sflag:$0x1] =	stream.linear.gather [hbm4b:s7+s4], $0x1900, $0x38;
	[tilespmem:$0x12300] =	vst v63  }
0x18: {  	s0 =	simm.s32 $0x1900  }
0x19: {  	[tilespmem:s0], [sflag:$0x1] =	stream.linear.gather [hbm4b:s8+s4], $0x800, $0x38;
	[tilespmem:$0x12300] =	vst v63  }
0x1a: {  	_ =	swait.ge [sflag:s12], $0x1900  }
0x1b: {  	[sflag:s12] =	ssyncset.done $0x0  }
0x1c: {  	[sflag:s12] =	ssyncadd.s32 $0xFFFFE700  }
0x1d: {  	_ =	swait.ge [sflag:s12], $0x800  }
0x1e: {  	[sflag:s12] =	ssyncset.done $0x0  }
0x1f: {  	[sflag:s12] =	ssyncadd.s32 $0xFFFFF800  }
0x20: {  	[tilespmem:s14], [sflag:$0x2] =	stream.indirect.gather [hbm4b:s1+s13], $0x80, s4, s13, $0xb8;
	[tilespmem:$0x12300] =	vst v63  }
0x21: {  	s28 =	simm.s32 $0x0  }
0x22: {  	[tilespmem:s15], [sflag:$0x2] =	stream.indirect.gather [hbm4b:s1+s13], $0x80, s13, s13, $0xb8;
	[tilespmem:$0x12300] =	vst v63  }
.LBB2_2:
0x23: {  	p0 =	seq.s32 s28, $0x0  }
0x24: {  	s0 =	simm.s32 @!p0 $0x5  }
0x25: {  	_ =	swait.ge @!p0 [sflag:s0], $0x4000  }
0x26: {  	[sflag:s0] =	ssyncset.done @!p0 $0x0  }
0x27: {  	s2 =	sshll.u32 s28, $0x1;
	[sflag:s0] =	ssyncadd.s32 @!p0 $0xFFFFC000  }
0x28: {  	s29 =	sor.u32 $0x1, s2;
	_ =	swait.ge @!p0 [sflag:s0], $0x4000  }
0x29: {  	s30 =	sshll.u32 s29, $0x8;
	[sflag:s0] =	ssyncset.done @!p0 $0x0  }
0x2a: {  	s11 =	sand.u32 $0x3FFFFF00, s30;
	[sflag:s0] =	ssyncadd.s32 @!p0 $0xFFFFC000  }
0x2b: {  	[tilespmem:s16], [sflag:$0x3] =	stream.indirect.gather [hbm4b:s1+s13], $0x80, s11, s13, $0xb8;
	[tilespmem:$0x12300] =	vst v63  }
0x2c: {  	s0 =	sor.u32 $0x80, s11  }
0x2d: {  	[tilespmem:s17], [sflag:$0x3] =	stream.indirect.gather [hbm4b:s1+s13], $0x80, s0, s13, $0xb8;
	[tilespmem:$0x12300] =	vst v63  }
0x2e: {  	_ =	swait.ge [sflag:s18], $0x4000  }
0x2f: {  	s31 =	sadd.s32 s5, s2;
	[sflag:s18] =	ssyncset.done $0x0  }
0x30: {  	s30 =	sshrl.u32 s31, $0x2;
	[sflag:s18] =	ssyncadd.s32 $0xFFFFC000  }
0x31: {  	s11 =	ssub.s32 s30, s6;
	_ =	swait.ge [sflag:s18], $0x4000  }
0x32: {  	s0 =	sshll.u32 s11, $0x9;
	[sflag:s18] =	ssyncset.done $0x0  }
0x33: {  	s0 =	sshra.s32 s0, $0x2;
	[sflag:s18] =	ssyncadd.s32 $0xFFFFC000  }
0x34: {  	v23 =	vld [tilespmem:s0+$0x1900]  }
0x35: {  	v24 =	vld [tilespmem:s0+$0x1910]  }
0x36: {  	v22 =	vld [tilespmem:s0+$0x1920]  }
0x37: {  	v21 =	vld [tilespmem:s0+$0x1930]  }
0x38: {  	v20 =	vld [tilespmem:s0+$0x1940]  }
0x39: {  	v19 =	vld [tilespmem:s0+$0x1950]  }
0x3a: {  	v18 =	vld [tilespmem:s0+$0x1960]  }
0x3b: {  	s2 =	simm.s32 $0x0;
	v17 =	vld [tilespmem:s0+$0x1970]  }
0x3c: {  	v27 =	vld [tilespmem:s2+$0x2100]  }
0x3d: {  	v30 =	vld [tilespmem:s2+$0x2110]  }
0x3e: {  	v29 =	vld [tilespmem:s2+$0x2120]  }
0x3f: {  	v28 =	vld [tilespmem:s2+$0x2130]  }
0x40: {  	v25 =	vld [tilespmem:s2+$0x2140]  }
0x41: {  	v26 =	vld [tilespmem:s2+$0x2150];
	v31 =	vadd.f32 v27, v23  }
0x42: {  	s0 =	simm.s32 $0x200;
	v30 =	vadd.f32 v30, v24;
	v27 =	vld [tilespmem:s2+$0x2160]  }
.LBB2_3:
0x43: {  	s11 =	sshra.s32 s0, $0x2;
	p0 =	sne.s32 s0, $0x1FE00;
	[tilespmem:s2+$0x2100] =	vst v31;
	v29 =	vadd.f32 v29, v22;
	v31 =	vld [tilespmem:s2+$0x2170]  }
0x44: {  	v32 =	vld [tilespmem:s11+$0x2100];
	[tilespmem:s2+$0x2110] =	vst v30;
	v28 =	vadd.f32 v28, v21  }
0x45: {  	v30 =	vld [tilespmem:s11+$0x2110];
	[tilespmem:s2+$0x2120] =	vst v29;
	v25 =	vadd.f32 v25, v20  }
.Ltmp0:
0x46: {  	v29 =	vld [tilespmem:s11+$0x2120];
	[tilespmem:s2+$0x2130] =	vst v28;
	v26 =	vadd.f32 v26, v19;
	(pc) =	sbr.rel @p0 .LBB2_3-.Ltmp0, $4  }
0x47: {  	v28 =	vld [tilespmem:s11+$0x2130];
	[tilespmem:s2+$0x2140] =	vst v25;
	v27 =	vadd.f32 v27, v18  }
0x48: {  	v25 =	vld [tilespmem:s11+$0x2140];
	[tilespmem:s2+$0x2150] =	vst v26;
	v33 =	vadd.f32 v31, v17  }
0x49: {  	v31 =	vadd.f32 v32, v23;
	v26 =	vld [tilespmem:s11+$0x2150];
	[tilespmem:s2+$0x2160] =	vst v27  }
0x4a: {  	s0 =	sadd.s32 $0x200, s0;
	v30 =	vadd.f32 v30, v24;
	v27 =	vld [tilespmem:s11+$0x2160];
	[tilespmem:s2+$0x2170] =	vst v33;
	s2 =	smov.u32 s11  }
0x4b: {  	[tilespmem:s2+$0x2100] =	vst v31;
	v22 =	vadd.f32 v29, v22;
	v23 =	vld [tilespmem:s2+$0x2170]  }
0x4c: {  	[tilespmem:s2+$0x2110] =	vst v30;
	v21 =	vadd.f32 v28, v21  }
0x4d: {  	[tilespmem:s2+$0x2120] =	vst v22;
	v20 =	vadd.f32 v25, v20  }
0x4e: {  	s0 =	sand.u32 $0x3, s31;
	[tilespmem:s2+$0x2130] =	vst v21;
	v19 =	vadd.f32 v26, v19  }
0x4f: {  	s0 =	smul.u32 $0xC800, s0;
	[tilespmem:s2+$0x2140] =	vst v20;
	v18 =	vadd.f32 v27, v18  }
0x50: {  	[tilespmem:s2+$0x2150] =	vst v19;
	v17 =	vadd.f32 v23, v17  }
0x51: {  	s11 =	sor.u32 s30, s0;
	s0 =	sadd.s32 s0, s30;
	[tilespmem:s2+$0x2160] =	vst v18  }
0x52: {  	[tilespmem:s2+$0x2170] =	vst v17;
	v17 =	vadd.s32 s11, v0;
	s11 =	sadd.s32 $0xC80, s0  }
0x53: {  	s31 =	sadd.s32 $0x1900, s0;
	[tilespmem:$0x12100] =	vst v17;
	v17 =	vadd.s32 s11, v0  }
0x54: {  	s11 =	sadd.s32 $0x2580, s0;
	[tilespmem:$0x12110] =	vst v17;
	v17 =	vadd.s32 s31, v0  }
0x55: {  	s31 =	sadd.s32 $0x3200, s0;
	[tilespmem:$0x12120] =	vst v17;
	v17 =	vadd.s32 s11, v0  }
0x56: {  	s11 =	sadd.s32 $0x3E80, s0;
	[tilespmem:$0x12130] =	vst v17;
	v17 =	vadd.s32 s31, v0  }
0x57: {  	s31 =	sadd.s32 $0x4B00, s0;
	[tilespmem:$0x12140] =	vst v17;
	v17 =	vadd.s32 s11, v0  }
0x58: {  	s11 =	sadd.s32 $0x5780, s0;
	[tilespmem:$0x12150] =	vst v17;
	v17 =	vadd.s32 s31, v0  }
0x59: {  	s31 =	sadd.s32 $0x6400, s0;
	[tilespmem:$0x12160] =	vst v17;
	v17 =	vadd.s32 s11, v0  }
0x5a: {  	s11 =	sadd.s32 $0x7080, s0;
	[tilespmem:$0x12170] =	vst v17;
	v17 =	vadd.s32 s31, v0  }
0x5b: {  	s31 =	sadd.s32 $0x7D00, s0;
	[tilespmem:$0x12180] =	vst v17;
	v17 =	vadd.s32 s11, v0  }
0x5c: {  	s11 =	sadd.s32 $0x8980, s0;
	[tilespmem:$0x12190] =	vst v17;
	v17 =	vadd.s32 s31, v0  }
0x5d: {  	s31 =	sadd.s32 $0x9600, s0;
	[tilespmem:$0x121A0] =	vst v17;
	v17 =	vadd.s32 s11, v0  }
0x5e: {  	s11 =	sadd.s32 $0xA280, s0;
	[tilespmem:$0x121B0] =	vst v17;
	v17 =	vadd.s32 s31, v0  }
0x5f: {  	s31 =	sadd.s32 $0xAF00, s0;
	[tilespmem:$0x121C0] =	vst v17;
	v17 =	vadd.s32 s11, v0  }
0x60: {  	s0 =	sadd.s32 $0xBB80, s0;
	[tilespmem:$0x121D0] =	vst v17;
	v17 =	vadd.s32 s31, v0  }
0x61: {  	[tilespmem:$0x121E0] =	vst v17;
	v17 =	vadd.s32 s0, v0  }
0x62: {  	[tilespmem:$0x121F0] =	vst v17  }
0x63: {  	[hbm4b:s3+s13] =	stream.indirect.scatter [tilespmem:s14], [sflag:$0x4], $0x80, s19, s13, $0xb8;
	[tilespmem:$0x12300] =	vst v63  }
0x64: {  	_ = 	snop  }
0x65: {  	[hbm4b:s3+s13] =	stream.indirect.scatter [tilespmem:s15], [sflag:$0x4], $0x80, s20, s13, $0xb8;
	[tilespmem:$0x12300] =	vst v63  }
0x66: {  	_ =	swait.ge [sflag:s21], $0x4000  }
0x67: {  	[sflag:s21] =	ssyncset.done $0x0  }
0x68: {  	[sflag:s21] =	ssyncadd.s32 $0xFFFFC000  }
0x69: {  	s2 =	sshll.u32 s28, $0x9;
	_ =	swait.ge [sflag:s21], $0x4000  }
0x6a: {  	s0 =	sand.u32 $0x3FFFFE00, s2;
	[sflag:s21] =	ssyncset.done $0x0  }
0x6b: {  	s11 =	sadd.s32 $0x200, s0;
	[sflag:s21] =	ssyncadd.s32 $0xFFFFC000  }
0x6c: {  	[tilespmem:s14], [sflag:$0x2] =	stream.indirect.gather [hbm4b:s1+s13], $0x80, s11, s13, $0xb8;
	[tilespmem:$0x12300] =	vst v63  }
0x6d: {  	s0 =	sadd.s32 $0x280, s0  }
0x6e: {  	[tilespmem:s15], [sflag:$0x2] =	stream.indirect.gather [hbm4b:s1+s13], $0x80, s0, s13, $0xb8;
	[tilespmem:$0x12300] =	vst v63  }
0x6f: {  	_ =	swait.ge [sflag:s22], $0x4000  }
0x70: {  	s30 =	sadd.s32 s5, s29;
	[sflag:s22] =	ssyncset.done $0x0  }
0x71: {  	s29 =	sshrl.u32 s30, $0x2;
	[sflag:s22] =	ssyncadd.s32 $0xFFFFC000  }
0x72: {  	s31 =	ssub.s32 s29, s6;
	_ =	swait.ge [sflag:s22], $0x4000  }
0x73: {  	s0 =	sshll.u32 s31, $0x9;
	[sflag:s22] =	ssyncset.done $0x0  }
0x74: {  	s0 =	sshra.s32 s0, $0x2;
	[sflag:s22] =	ssyncadd.s32 $0xFFFFC000  }
0x75: {  	v23 =	vld [tilespmem:s0+$0x1900]  }
0x76: {  	v24 =	vld [tilespmem:s0+$0x1910]  }
0x77: {  	v22 =	vld [tilespmem:s0+$0x1920]  }
0x78: {  	v21 =	vld [tilespmem:s0+$0x1930]  }
0x79: {  	v20 =	vld [tilespmem:s0+$0x1940]  }
0x7a: {  	v19 =	vld [tilespmem:s0+$0x1950]  }
0x7b: {  	v18 =	vld [tilespmem:s0+$0x1960]  }
0x7c: {  	s2 =	simm.s32 $0x0;
	v17 =	vld [tilespmem:s0+$0x1970]  }
0x7d: {  	v27 =	vld [tilespmem:s2+$0xA100]  }
0x7e: {  	v30 =	vld [tilespmem:s2+$0xA110]  }
0x7f: {  	v29 =	vld [tilespmem:s2+$0xA120]  }
0x80: {  	v28 =	vld [tilespmem:s2+$0xA130]  }
0x81: {  	v25 =	vld [tilespmem:s2+$0xA140]  }
0x82: {  	v26 =	vld [tilespmem:s2+$0xA150];
	v31 =	vadd.f32 v27, v23  }
0x83: {  	s0 =	simm.s32 $0x200;
	v30 =	vadd.f32 v30, v24;
	v27 =	vld [tilespmem:s2+$0xA160]  }
.LBB2_5:
0x84: {  	s11 =	sshra.s32 s0, $0x2;
	p0 =	sne.s32 s0, $0x1FE00;
	[tilespmem:s2+$0xA100] =	vst v31;
	v29 =	vadd.f32 v29, v22;
	v31 =	vld [tilespmem:s2+$0xA170]  }
0x85: {  	v32 =	vld [tilespmem:s11+$0xA100];
	[tilespmem:s2+$0xA110] =	vst v30;
	v28 =	vadd.f32 v28, v21  }
0x86: {  	v30 =	vld [tilespmem:s11+$0xA110];
	[tilespmem:s2+$0xA120] =	vst v29;
	v25 =	vadd.f32 v25, v20  }
.Ltmp1:
0x87: {  	v29 =	vld [tilespmem:s11+$0xA120];
	[tilespmem:s2+$0xA130] =	vst v28;
	v26 =	vadd.f32 v26, v19;
	(pc) =	sbr.rel @p0 .LBB2_5-.Ltmp1, $4  }
0x88: {  	v28 =	vld [tilespmem:s11+$0xA130];
	[tilespmem:s2+$0xA140] =	vst v25;
	v27 =	vadd.f32 v27, v18  }
0x89: {  	v25 =	vld [tilespmem:s11+$0xA140];
	[tilespmem:s2+$0xA150] =	vst v26;
	v33 =	vadd.f32 v31, v17  }
0x8a: {  	v31 =	vadd.f32 v32, v23;
	v26 =	vld [tilespmem:s11+$0xA150];
	[tilespmem:s2+$0xA160] =	vst v27  }
0x8b: {  	s0 =	sadd.s32 $0x200, s0;
	v30 =	vadd.f32 v30, v24;
	v27 =	vld [tilespmem:s11+$0xA160];
	[tilespmem:s2+$0xA170] =	vst v33;
	s2 =	smov.u32 s11  }
0x8c: {  	[tilespmem:s2+$0xA100] =	vst v31;
	v22 =	vadd.f32 v29, v22;
	v23 =	vld [tilespmem:s2+$0xA170]  }
0x8d: {  	[tilespmem:s2+$0xA110] =	vst v30;
	v21 =	vadd.f32 v28, v21  }
0x8e: {  	[tilespmem:s2+$0xA120] =	vst v22;
	v20 =	vadd.f32 v25, v20  }
0x8f: {  	s0 =	sand.u32 $0x3, s30;
	[tilespmem:s2+$0xA130] =	vst v21;
	v19 =	vadd.f32 v26, v19  }
0x90: {  	s0 =	smul.u32 $0xC800, s0;
	[tilespmem:s2+$0xA140] =	vst v20;
	v18 =	vadd.f32 v27, v18  }
0x91: {  	[tilespmem:s2+$0xA150] =	vst v19;
	v17 =	vadd.f32 v23, v17  }
0x92: {  	s11 =	sor.u32 s29, s0;
	s0 =	sadd.s32 s0, s29;
	[tilespmem:s2+$0xA160] =	vst v18  }
0x93: {  	s30 =	sadd.s32 $0xC80, s0;
	[tilespmem:s2+$0xA170] =	vst v17;
	v17 =	vadd.s32 s11, v0  }
0x94: {  	s31 =	sadd.s32 $0x1900, s0;
	[tilespmem:$0x12200] =	vst v17;
	v17 =	vadd.s32 s30, v0  }
0x95: {  	s11 =	sadd.s32 $0x2580, s0;
	[tilespmem:$0x12210] =	vst v17;
	v17 =	vadd.s32 s31, v0  }
0x96: {  	s29 =	sadd.s32 $0x3200, s0;
	[tilespmem:$0x12220] =	vst v17;
	v17 =	vadd.s32 s11, v0  }
0x97: {  	s30 =	sadd.s32 $0x3E80, s0;
	[tilespmem:$0x12230] =	vst v17;
	v17 =	vadd.s32 s29, v0  }
0x98: {  	s31 =	sadd.s32 $0x4B00, s0;
	[tilespmem:$0x12240] =	vst v17;
	v17 =	vadd.s32 s30, v0  }
0x99: {  	s11 =	sadd.s32 $0x5780, s0;
	[tilespmem:$0x12250] =	vst v17;
	v17 =	vadd.s32 s31, v0  }
0x9a: {  	s29 =	sadd.s32 $0x6400, s0;
	[tilespmem:$0x12260] =	vst v17;
	v17 =	vadd.s32 s11, v0  }
0x9b: {  	s30 =	sadd.s32 $0x7080, s0;
	[tilespmem:$0x12270] =	vst v17;
	v17 =	vadd.s32 s29, v0  }
0x9c: {  	s31 =	sadd.s32 $0x7D00, s0;
	[tilespmem:$0x12280] =	vst v17;
	v17 =	vadd.s32 s30, v0  }
0x9d: {  	s11 =	sadd.s32 $0x8980, s0;
	[tilespmem:$0x12290] =	vst v17;
	v17 =	vadd.s32 s31, v0  }
0x9e: {  	s29 =	sadd.s32 $0x9600, s0;
	[tilespmem:$0x122A0] =	vst v17;
	v17 =	vadd.s32 s11, v0  }
0x9f: {  	s30 =	sadd.s32 $0xA280, s0;
	[tilespmem:$0x122B0] =	vst v17;
	v17 =	vadd.s32 s29, v0  }
0xa0: {  	s28 =	sadd.s32 $0x1, s28;
	s31 =	sadd.s32 $0xAF00, s0;
	[tilespmem:$0x122C0] =	vst v17;
	v17 =	vadd.s32 s30, v0  }
0xa1: {  	p0 =	sne.s32 s28, $0xC;
	s0 =	sadd.s32 $0xBB80, s0;
	[tilespmem:$0x122D0] =	vst v17;
	v17 =	vadd.s32 s31, v0  }
.Ltmp2:
0xa2: {  	[tilespmem:$0x122E0] =	vst v17;
	v17 =	vadd.s32 s0, v0;
	(pc) =	sbr.rel @p0 .LBB2_2-.Ltmp2, $4  }
0xa3: {  	[tilespmem:$0x122F0] =	vst v17  }
0xa4: {  	[hbm4b:s3+s13] =	stream.indirect.scatter [tilespmem:s16], [sflag:$0x5], $0x80, s23, s13, $0xb8;
	[tilespmem:$0x12300] =	vst v63  }
0xa5: {  	_ = 	snop  }
0xa6: {  	[hbm4b:s3+s13] =	stream.indirect.scatter [tilespmem:s17], [sflag:$0x5], $0x80, s24, s13, $0xb8;
	[tilespmem:$0x12300] =	vst v63  }
0xa7: {  	_ =	swait.ge [sflag:s18], $0x4000  }
0xa8: {  	[sflag:s18] =	ssyncset.done $0x0  }
0xa9: {  	[sflag:s18] =	ssyncadd.s32 $0xFFFFC000  }
0xaa: {  	_ =	swait.ge [sflag:s18], $0x4000  }
0xab: {  	[sflag:s18] =	ssyncset.done $0x0  }
0xac: {  	[sflag:s18] =	ssyncadd.s32 $0xFFFFC000  }
0xad: {  	v23 =	vld [tilespmem:s9+$0x1900]  }
0xae: {  	v24 =	vld [tilespmem:s9+$0x1910]  }
0xaf: {  	v22 =	vld [tilespmem:s9+$0x1920]  }
0xb0: {  	v21 =	vld [tilespmem:s9+$0x1930]  }
0xb1: {  	v20 =	vld [tilespmem:s9+$0x1940]  }
0xb2: {  	v19 =	vld [tilespmem:s9+$0x1950]  }
0xb3: {  	v18 =	vld [tilespmem:s9+$0x1960]  }
0xb4: {  	s2 =	simm.s32 $0x0;
	v17 =	vld [tilespmem:s9+$0x1970]  }
0xb5: {  	v28 =	vld [tilespmem:s2+$0x2100]  }
0xb6: {  	v30 =	vld [tilespmem:s2+$0x2110]  }
0xb7: {  	v29 =	vld [tilespmem:s2+$0x2120]  }
0xb8: {  	v27 =	vld [tilespmem:s2+$0x2130]  }
0xb9: {  	v25 =	vld [tilespmem:s2+$0x2140]  }
0xba: {  	v26 =	vld [tilespmem:s2+$0x2150];
	v31 =	vadd.f32 v28, v23  }
0xbb: {  	s0 =	simm.s32 $0x200;
	v30 =	vadd.f32 v30, v24;
	v28 =	vld [tilespmem:s2+$0x2160]  }
.LBB2_8:
0xbc: {  	s11 =	sshra.s32 s0, $0x2;
	p0 =	sne.s32 s0, $0x1FE00;
	[tilespmem:s2+$0x2100] =	vst v31;
	v29 =	vadd.f32 v29, v22;
	v31 =	vld [tilespmem:s2+$0x2170]  }
0xbd: {  	v32 =	vld [tilespmem:s11+$0x2100];
	[tilespmem:s2+$0x2110] =	vst v30;
	v27 =	vadd.f32 v27, v21  }
0xbe: {  	v30 =	vld [tilespmem:s11+$0x2110];
	[tilespmem:s2+$0x2120] =	vst v29;
	v25 =	vadd.f32 v25, v20  }
.Ltmp3:
0xbf: {  	v29 =	vld [tilespmem:s11+$0x2120];
	[tilespmem:s2+$0x2130] =	vst v27;
	v26 =	vadd.f32 v26, v19;
	(pc) =	sbr.rel @p0 .LBB2_8-.Ltmp3, $4  }
0xc0: {  	v27 =	vld [tilespmem:s11+$0x2130];
	[tilespmem:s2+$0x2140] =	vst v25;
	v28 =	vadd.f32 v28, v18  }
0xc1: {  	v25 =	vld [tilespmem:s11+$0x2140];
	[tilespmem:s2+$0x2150] =	vst v26;
	v33 =	vadd.f32 v31, v17  }
0xc2: {  	v31 =	vadd.f32 v32, v23;
	v26 =	vld [tilespmem:s11+$0x2150];
	[tilespmem:s2+$0x2160] =	vst v28  }
0xc3: {  	s0 =	sadd.s32 $0x200, s0;
	v30 =	vadd.f32 v30, v24;
	v28 =	vld [tilespmem:s11+$0x2160];
	[tilespmem:s2+$0x2170] =	vst v33;
	s2 =	smov.u32 s11  }
0xc4: {  	[tilespmem:s2+$0x2100] =	vst v31;
	v22 =	vadd.f32 v29, v22;
	v23 =	vld [tilespmem:s2+$0x2170]  }
0xc5: {  	[tilespmem:s2+$0x2110] =	vst v30;
	v21 =	vadd.f32 v27, v21  }
0xc6: {  	[tilespmem:s2+$0x2120] =	vst v22;
	v20 =	vadd.f32 v25, v20  }
0xc7: {  	[tilespmem:s2+$0x2130] =	vst v21;
	v19 =	vadd.f32 v26, v19  }
0xc8: {  	[tilespmem:s2+$0x2140] =	vst v20;
	v18 =	vadd.f32 v28, v18  }
0xc9: {  	[tilespmem:s2+$0x2150] =	vst v19;
	v17 =	vadd.f32 v23, v17  }
0xca: {  	[tilespmem:s2+$0x2160] =	vst v18  }
0xcb: {  	[tilespmem:s2+$0x2170] =	vst v17  }
0xcc: {  	[tilespmem:$0x12100] =	vst v1  }
0xcd: {  	[tilespmem:$0x12110] =	vst v2  }
0xce: {  	[tilespmem:$0x12120] =	vst v3  }
0xcf: {  	[tilespmem:$0x12130] =	vst v4  }
0xd0: {  	[tilespmem:$0x12140] =	vst v5  }
0xd1: {  	[tilespmem:$0x12150] =	vst v6  }
0xd2: {  	[tilespmem:$0x12160] =	vst v7  }
0xd3: {  	[tilespmem:$0x12170] =	vst v8  }
0xd4: {  	[tilespmem:$0x12180] =	vst v9  }
0xd5: {  	[tilespmem:$0x12190] =	vst v10  }
0xd6: {  	[tilespmem:$0x121A0] =	vst v11  }
0xd7: {  	[tilespmem:$0x121B0] =	vst v12  }
0xd8: {  	[tilespmem:$0x121C0] =	vst v13  }
0xd9: {  	[tilespmem:$0x121D0] =	vst v14  }
0xda: {  	[tilespmem:$0x121E0] =	vst v15  }
0xdb: {  	[tilespmem:$0x121F0] =	vst v16  }
0xdc: {  	[hbm4b:s3+s13] =	stream.indirect.scatter [tilespmem:s14], [sflag:$0x4], $0x80, s19, s13, $0xb8;
	[tilespmem:$0x12300] =	vst v63  }
0xdd: {  	_ = 	snop  }
0xde: {  	[hbm4b:s3+s13] =	stream.indirect.scatter [tilespmem:s15], [sflag:$0x4], $0x80, s20, s13, $0xb8;
	[tilespmem:$0x12300] =	vst v63  }
0xdf: {  	_ =	swait.ge [sflag:s25], $0x4000  }
0xe0: {  	[sflag:s25] =	ssyncset.done $0x0  }
0xe1: {  	[sflag:s25] =	ssyncadd.s32 $0xFFFFC000  }
0xe2: {  	_ =	swait.ge [sflag:s25], $0x4000  }
0xe3: {  	[sflag:s25] =	ssyncset.done $0x0  }
0xe4: {  	s26 =	sadd.s32 $0x1, s26;
	[sflag:s25] =	ssyncadd.s32 $0xFFFFC000  }
0xe5: {  	p0 =	sne.s32 s26, s10;
	_ =	swait.ge [sflag:s21], $0x4000  }
.Ltmp4:
0xe6: {  	[sflag:s21] =	ssyncset.done $0x0;
	(pc) =	sbr.rel @p0 .LBB2_1-.Ltmp4, $4  }
0xe7: {  	[sflag:s21] =	ssyncadd.s32 $0xFFFFC000  }
0xe8: {  	_ =	swait.ge [sflag:s21], $0x4000  }
0xe9: {  	[sflag:s21] =	ssyncset.done $0x0  }
0xea: {  	[sflag:s21] =	ssyncadd.s32 $0xFFFFC000  }
0xeb: {  	_ =	sfence.sel $0x180000  }
0xec: {  	[bflag:$0x0] =	sbarrier.arrive $0xFFFF  }
0xed: {  	_ =	strace $0x90000047  }
0xee: {  	s0 =	stileid.u32;
	[bflag:$0x2] =	sbarrier.arrive $0xFFFF  }
0xef: {  	p0 =	sne.s32 s0, $0x0;
	s0 =	rddreg [dreg:$0x4]  }
0xf0: {  	s0 =	sadd.s32 @!p0 $0x100000, s0  }
0xf1: {  	[sflag:s0] =	ssyncadd.tile.s32 @!p0 $0x1;
	_ =	shalt  }
.Lfunc_end2:
_tile_overlayer_lowered:
.L_overlay_start_2:
0xf2: {  	(tag) =	ssettag $0x2  }
0xf3: {  	s0 =	rddreg [dreg:$0x0];
	s2 =	stileid.u32  }
0xf4: {  	s1 =	rddreg [dreg:$0x1];
	p0 =	sne.s32 s2, $0x0  }
0xf5: {  	s3 =	rddreg [dreg:$0x2];
	[bflag:$0x3] =	sbarrier.arrive $0xFFFF;
	s2 =	simm.s32 @!p0 $0x1C06  }
0xf6: {  	[timem:s3], [sflag:s2] =	dma.local @!p0 [hbm:s0], s1  }
0xf7: {  	s0 =	simm.s32 @!p0 $0x6  }
0xf8: {  	_ =	swait.ge @!p0 [sflag:s0], s1  }
0xf9: {  	s1 =	ssub.s32 @!p0 $0x0, s1;
	[sflag:s0] =	ssyncset.done @!p0 $0x0  }
0xfa: {  	[sflag:s0] =	ssyncadd.s32 @!p0 s1  }
0xfb: {  	[bflag:$0x3] =	sbarrier.arrive $0xFFFF  }
0xfc: {  	_ =	shalt  }

</sc_bundles>
